<compile_context>
chip_gen: v7x
topology: tpu7x:2x2x1
jax: 0.10.2.dev20260603
libtpu: 0.0.44.dev20260713+nightly
codegen_flags: <defaults>
</compile_context>

<pallas_src>
import functools

import numpy as np

import jax
import jax.numpy as jnp
from jax import lax
from jax.experimental import pallas as pl
from jax.experimental.pallas import tpu as pltpu

F32 = jnp.float32



_SEL = None


def _sel_mats():
    global _SEL
    if _SEL is None:
        w = np.arange(386)[:, None]
        j = np.arange(193)[None, :]
        se = (w == 2 * j).astype(np.float32)
        so = (w == 2 * j + 1).astype(np.float32)
        _SEL = np.stack([se, so])
    return _SEL


def _phase_store(o_ref, ys_ref, y, rows, cols, i0, j_n):
    u = rows // 2
    m = cols // 2
    ys_ref[...] = y.reshape(u, 2, m, 2, 128)
    for p in range(2):
        for e in range(2):
            piece = ys_ref[:, p, :, e, :]
            s = 1 - p
            t = 1 - e
            lane0 = (s * 2 + t) * 128
            o_ref[0, pl.ds(i0 + p, u), pl.ds(e, m), lane0:lane0 + 128] = piece


def _zero_phase_pads(o_ref, ilast, jlast):
    ni, nj = ilast + 1, jlast + 1
    o_ref[0, 0:1, :, 0:256] = jnp.zeros((1, nj, 256), F32)
    o_ref[0, ilast:ilast + 1, :, 256:512] = jnp.zeros((1, nj, 256), F32)
    for s in range(2):
        b = s * 256
        o_ref[0, :, 0:1, b:b + 128] = jnp.zeros((ni, 1, 128), F32)
        o_ref[0, :, jlast:jlast + 1, b + 128:b + 256] = jnp.zeros((ni, 1, 128), F32)


def _conv1_body(x_ref, se_ref, wg_ref, b_ref, o_ref, pc_ref, ys_ref):
    _zero_phase_pads(o_ref, 96, 96)
    for r in range(8):
        _conv1_rblock(x_ref, se_ref, wg_ref, b_ref, o_ref, pc_ref, ys_ref, r)


def _conv1_rblock(x_ref, se_ref, wg_ref, b_ref, o_ref, pc_ref, ys_ref, r):
    for c in range(3):
        xc = x_ref[0, c, pl.ds(48 * r, 50), :]
        xe = jnp.dot(xc, se_ref[0], preferred_element_type=F32)
        xo = jnp.dot(xc, se_ref[1], preferred_element_type=F32)
        xe2 = xe.reshape(25, 2, 193)
        xo2 = xo.reshape(25, 2, 193)
        for s in range(2):
            pc_ref[:, :, (s * 2 + 0) * 3 + c] = xe2[:, s, :]
            pc_ref[:, :, (s * 2 + 1) * 3 + c] = xo2[:, s, :]
    taps = []
    for dh in range(2):
        for dw in range(2):
            taps.append(pc_ref[dh:dh + 24, dw:dw + 192, :])
    lhs = jnp.concatenate(taps, axis=-1).reshape(4608, 48)
    acc = jnp.dot(lhs, wg_ref[...], preferred_element_type=F32)
    y = jnp.maximum(acc + b_ref[0:1, :], 0.0).reshape(24, 192, 128)
    _phase_store(o_ref, ys_ref, y, 24, 192, 12 * r, 96)


def _conv1(x, W1, b1):
    xpad = jnp.pad(x, ((0, 0), (0, 0), (1, 1), (1, 1)))
    se = jnp.asarray(_sel_mats())
    wg = jnp.transpose(
        W1.reshape(128, 3, 2, 2, 2, 2),
        (2, 4, 3, 5, 1, 0),
    ).reshape(48, 128)
    bm = b1.reshape(1, 128)
    out = pl.pallas_call(
        _conv1_body,
        grid=(4,),
        in_specs=[
            pl.BlockSpec((1, 3, 386, 386), lambda i: (i, 0, 0, 0)),
            pl.BlockSpec((2, 386, 193), lambda i: (0, 0, 0)),
            pl.BlockSpec((48, 128), lambda i: (0, 0)),
            pl.BlockSpec((1, 128), lambda i: (0, 0)),
        ],
        out_specs=pl.BlockSpec((1, 97, 97, 512), lambda i: (i, 0, 0, 0)),
        out_shape=jax.ShapeDtypeStruct((4, 97, 97, 512), F32),
        scratch_shapes=[pltpu.VMEM((25, 193, 12), F32),
                        pltpu.VMEM((12, 2, 96, 2, 128), F32)],
    )(xpad, se, wg, bm)
    return out



def _phase_weights(W):
    O, C, _, _ = W.shape
    gs = []
    for dh in range(2):
        for dw in range(2):
            sub = W[:, :, 2 * dh:2 * dh + 2, 2 * dw:2 * dw + 2]
            gs.append(jnp.transpose(sub, (2, 3, 1, 0)).reshape(4 * C, O))
    return jnp.stack(gs)


def _conv2_body(pcm_ref, pce_ref, wg_ref, b_ref, o_ref, ys_ref):
    q = pl.program_id(1)

    @pl.when(q == 0)
    def _():
        _zero_phase_pads(o_ref, 48, 48)

    pcv = jnp.concatenate([pcm_ref[0], pce_ref[0]], axis=0)
    acc = jnp.zeros((2304, 128), F32)
    for dh in range(2):
        for dw in range(2):
            v = pcv[dh:dh + 24, dw:dw + 96, :]
            acc = acc + jnp.dot(v.reshape(2304, 512), wg_ref[dh * 2 + dw],
                                preferred_element_type=F32)
    y = jnp.maximum(acc + b_ref[0:1, :], 0.0).reshape(24, 96, 128)
    _phase_store(o_ref, ys_ref, y, 24, 96, 12 * q, 48)


def _conv2(pc2, W2, b2):
    wg = _phase_weights(W2)
    bm = b2.reshape(1, 128)
    out = pl.pallas_call(
        _conv2_body,
        grid=(4, 4),
        in_specs=[
            pl.BlockSpec((1, 24, 97, 512), lambda i, q: (i, q, 0, 0)),
            pl.BlockSpec((1, 1, 97, 512), lambda i, q: (i, 24 * q + 24, 0, 0)),
            pl.BlockSpec((4, 512, 128), lambda i, q: (0, 0, 0)),
            pl.BlockSpec((1, 128), lambda i, q: (0, 0)),
        ],
        out_specs=pl.BlockSpec((1, 49, 49, 512), lambda i, q: (i, 0, 0, 0)),
        out_shape=jax.ShapeDtypeStruct((4, 49, 49, 512), F32),
        scratch_shapes=[pltpu.VMEM((12, 2, 48, 2, 128), F32)],
    )(pc2, pc2, wg, bm)
    return out


def _conv3_body(pc_ref, wg_ref, b_ref, o_ref):
    o_ref[0, 0:1, :, :] = jnp.zeros((1, 50, 128), F32)
    o_ref[0, 49:50, :, :] = jnp.zeros((1, 50, 128), F32)
    o_ref[0, :, 0:1, :] = jnp.zeros((50, 1, 128), F32)
    o_ref[0, :, 49:50, :] = jnp.zeros((50, 1, 128), F32)
    for r in range(2):
        acc = jnp.zeros((1152, 128), F32)
        for dh in range(2):
            for dw in range(2):
                v = pc_ref[0, 24 * r + dh:24 * r + dh + 24, dw:dw + 48, :]
                acc = acc + jnp.dot(v.reshape(1152, 512), wg_ref[dh * 2 + dw],
                                    preferred_element_type=F32)
        y = jnp.maximum(acc + b_ref[0:1, :], 0.0).reshape(24, 48, 128)
        o_ref[0, pl.ds(24 * r + 1, 24), 1:49, :] = y


def _conv3(pc3, W3, b3):
    wg = _phase_weights(W3)
    bm = b3.reshape(1, 128)
    out = pl.pallas_call(
        _conv3_body,
        grid=(4,),
        in_specs=[
            pl.BlockSpec((1, 49, 49, 512), lambda i: (i, 0, 0, 0)),
            pl.BlockSpec((4, 512, 128), lambda i: (0, 0, 0)),
            pl.BlockSpec((1, 128), lambda i: (0, 0)),
        ],
        out_specs=pl.BlockSpec((1, 50, 50, 128), lambda i: (i, 0, 0, 0)),
        out_shape=jax.ShapeDtypeStruct((4, 50, 50, 128), F32),
    )(pc3, wg, bm)
    return out



def _conv3x3_body(ap_ref, w_ref, b_ref, o_ref):
    acc = jnp.zeros((2304, 32), F32)
    for dh in range(3):
        for dw in range(3):
            v = ap_ref[0, dh:dh + 48, dw:dw + 48, :]
            acc = acc + jnp.dot(v.reshape(2304, 128), w_ref[dh * 3 + dw],
                                preferred_element_type=F32)
    o_ref[0] = acc + b_ref[0:1, :]


def _conv4(ap, W, b):
    wm = jnp.transpose(W, (2, 3, 1, 0)).reshape(9, 128, 32)
    bm = b.reshape(1, 32)
    out = pl.pallas_call(
        _conv3x3_body,
        grid=(4,),
        in_specs=[
            pl.BlockSpec((1, 50, 50, 128), lambda i: (i, 0, 0, 0)),
            pl.BlockSpec((9, 128, 32), lambda i: (0, 0, 0)),
            pl.BlockSpec((1, 32), lambda i: (0, 0)),
        ],
        out_specs=pl.BlockSpec((1, 2304, 32), lambda i: (i, 0, 0)),
        out_shape=jax.ShapeDtypeStruct((4, 2304, 32), F32),
    )(ap, wm, bm)
    return out.reshape(9216, 32)



_VQ_BM = 1152
_VQ_CK = 1024


def _vq_body(z_ref, cbt_ref, cb_ref, idx_ref, zq_ref):
    zv = z_ref[...]
    nchunks = 8192 // _VQ_CK
    runmin = jnp.full((_VQ_BM, 1), jnp.inf, F32)
    runidx = jnp.zeros((_VQ_BM, 1), jnp.int32)
    for c in range(nchunks):
        cbt = cbt_ref[:, _VQ_CK * c:_VQ_CK * (c + 1)]
        s = jnp.dot(zv, cbt, preferred_element_type=F32)
        cbsq = jnp.sum(cbt * cbt, axis=0, keepdims=True)
        d = cbsq - 2.0 * s
        m = jnp.min(d, axis=1, keepdims=True)
        iota = lax.broadcasted_iota(jnp.int32, (_VQ_BM, _VQ_CK), 1)
        ci = jnp.min(jnp.where(d == m, iota, jnp.int32(2 ** 30)),
                     axis=1, keepdims=True)
        better = m < runmin
        runidx = jnp.where(better, ci + _VQ_CK * c, runidx)
        runmin = jnp.minimum(runmin, m)
    zq = jnp.zeros((_VQ_BM, 32), F32)
    for c in range(nchunks):
        iota = lax.broadcasted_iota(jnp.int32, (_VQ_BM, _VQ_CK), 1)
        oh = (iota + _VQ_CK * c == runidx).astype(F32)
        zq = zq + jnp.dot(oh, cb_ref[_VQ_CK * c:_VQ_CK * (c + 1), :],
                          preferred_element_type=F32)
    idx_ref[...] = runidx
    zq_ref[...] = zq


def _vq(z, codebook):
    cbt = jnp.transpose(codebook)
    nb = z.shape[0] // _VQ_BM
    idx, zq = pl.pallas_call(
        _vq_body,
        grid=(nb,),
        in_specs=[
            pl.BlockSpec((_VQ_BM, 32), lambda i: (i, 0)),
            pl.BlockSpec((32, 8192), lambda i: (0, 0)),
            pl.BlockSpec((8192, 32), lambda i: (0, 0)),
        ],
        out_specs=[
            pl.BlockSpec((_VQ_BM, 1), lambda i: (i, 0)),
            pl.BlockSpec((_VQ_BM, 32), lambda i: (i, 0)),
        ],
        out_shape=[
            jax.ShapeDtypeStruct((z.shape[0], 1), jnp.int32),
            jax.ShapeDtypeStruct((z.shape[0], 32), F32),
        ],
    )(z, cbt, codebook)
    return idx, zq


def _xconv(x, W, b, stride, pad):
    y = jax.lax.conv_general_dilated(
        x, W, window_strides=(stride, stride), padding=[(pad, pad), (pad, pad)],
        dimension_numbers=('NCHW', 'OIHW', 'NCHW'))
    return y + b[None, :, None, None]


def kernel(x, W1, b1, W2, b2, W3, b3, W4, b4, codebook):
    z = jax.nn.relu(_xconv(x, W1, b1, 2, 1))
    z = jax.nn.relu(_xconv(z, W2, b2, 2, 1))
    z = jax.nn.relu(_xconv(z, W3, b3, 2, 1))
    z = _xconv(z, W4, b4, 1, 1)
    z = jnp.transpose(z, (0, 2, 3, 1))
    zf = z.reshape(-1, 32)
    idx, zq = _vq(zf, codebook)
    return idx.reshape(4, 48, 48), zq.reshape(4, 48, 48, 32)

# --- scband reference (transcript-rebuilt; emitter-appended) ---
"""Pipeline reference for scband-vqvaeencoder-73933567033596 (READ-ONLY COPY).

The authoritative reference and input builder live on the scoring server;
editing this copy changes nothing except your own understanding.
"""

import jax, jax.numpy as jnp
import numpy as np


def _conv(x, W, b, stride, pad):
    y = jax.lax.conv_general_dilated(
        x, W,
        window_strides=(stride, stride),
        padding=[(pad, pad), (pad, pad)],
        dimension_numbers=('NCHW', 'OIHW', 'NCHW'))
    return y + b[None, :, None, None]


def setup_inputs(seed: int = 0) -> dict:
    key = jax.random.key(seed)
    ks = jax.random.split(key, 10)
    in_channels, hidden_dim, num_embeddings, embedding_dim = 3, 128, 8192, 32
    x = jax.random.normal(ks[0], (4, 3, 384, 384), dtype=jnp.float32)
    W1 = jax.random.normal(ks[1], (hidden_dim, in_channels, 4, 4), dtype=jnp.float32) * 0.05
    b1 = jnp.zeros((hidden_dim,), dtype=jnp.float32)
    W2 = jax.random.normal(ks[2], (hidden_dim, hidden_dim, 4, 4), dtype=jnp.float32) * 0.02
    b2 = jnp.zeros((hidden_dim,), dtype=jnp.float32)
    W3 = jax.random.normal(ks[3], (hidden_dim, hidden_dim, 4, 4), dtype=jnp.float32) * 0.02
    b3 = jnp.zeros((hidden_dim,), dtype=jnp.float32)
    W4 = jax.random.normal(ks[4], (embedding_dim, hidden_dim, 3, 3), dtype=jnp.float32) * 0.02
    b4 = jnp.zeros((embedding_dim,), dtype=jnp.float32)
    codebook = jax.random.normal(ks[5], (num_embeddings, embedding_dim), dtype=jnp.float32)
    return {'x': x, 'W1': W1, 'b1': b1, 'W2': W2, 'b2': b2, 'W3': W3, 'b3': b3, 'W4': W4, 'b4': b4, 'codebook': codebook}


def reference(x, W1, b1, W2, b2, W3, b3, W4, b4, codebook):
    z = jax.nn.relu(_conv(x, W1, b1, 2, 1))
    z = jax.nn.relu(_conv(z, W2, b2, 2, 1))
    z = jax.nn.relu(_conv(z, W3, b3, 2, 1))
    z = _conv(z, W4, b4, 1, 1)
    z = jnp.transpose(z, (0, 2, 3, 1))
    zf = z.reshape(-1, z.shape[-1])
    d = (jnp.sum(zf ** 2, axis=1, keepdims=True)
         + jnp.sum(codebook ** 2, axis=1)
         - 2.0 * zf @ codebook.T)
    min_encoding_indices = jnp.argmin(d, axis=1)
    z_q = jnp.take(codebook, min_encoding_indices, axis=0).reshape(z.shape)
    return (min_encoding_indices.reshape(z.shape[0], z.shape[1], z.shape[2]), z_q)

if __name__ == "__main__":
    import jax
    _d = setup_inputs()
    print(jax.jit(kernel)(*tuple(_d.values())))

</pallas_src>

<mosaic_0001>
module attributes {stable_mosaic.version = 14 : i64} {
  func.func @_vq_body(%arg0: i32, %arg1: memref<1152x32xf32, #tpu.memory_space<vmem>>, %arg2: memref<32x8192xf32, #tpu.memory_space<vmem>>, %arg3: memref<8192x32xf32, #tpu.memory_space<vmem>>, %arg4: memref<1152x1xi32, #tpu.memory_space<vmem>>, %arg5: memref<1152x32xf32, #tpu.memory_space<vmem>>) attributes {dimension_semantics = [#tpu.dimension_semantics<arbitrary>], iteration_bounds = array<i64: 8>, scalar_prefetch = 0 : i64, scratch_operands = 0 : i64, tpu.core_type = #tpu.core_type<tc>, window_params = [{transform_indices = @transform_0, window_bounds = array<i64: 1152, 32>}, {pipeline_mode = #tpu.pipeline_mode<synchronous>, transform_indices = @transform_1, window_bounds = array<i64: 32, 8192>}, {pipeline_mode = #tpu.pipeline_mode<synchronous>, transform_indices = @transform_2, window_bounds = array<i64: 8192, 32>}, {transform_indices = @transform_3, window_bounds = array<i64: 1152, 1>}, {transform_indices = @transform_4, window_bounds = array<i64: 1152, 32>}]} {
    %get3A = arith.constant 0 : index
    %get3A_0 = arith.constant 0 : index
    %get3A_1 = vector.load %arg1[%get3A, %get3A_0] : memref<1152x32xf32, #tpu.memory_space<vmem>>, vector<1152x32xf32>
    %broadcast_in_dim3A = arith.constant 0x7F800000 : f32
    %broadcast_in_dim3A_2 = vector.broadcast %broadcast_in_dim3A : f32 to vector<1152x1xf32>
    %broadcast_in_dim3A_3 = arith.constant 0 : i32
    %broadcast_in_dim3A_4 = vector.broadcast %broadcast_in_dim3A_3 : i32 to vector<1152x1xi32>
    %get3A_5 = arith.constant 0 : index
    %get3A_6 = arith.constant 0 : index
    %get3A_7 = vector.load %arg2[%get3A_5, %get3A_6] : memref<32x8192xf32, #tpu.memory_space<vmem>>, vector<32x1024xf32>
    %dot_general3A = arith.constant dense<0.000000e+00> : vector<1152x1024xf32>
    %dot_general3A_8 = tpu.matmul %get3A_1, %get3A_7, %dot_general3A {dimension_numbers = #tpu.dot_dimension_numbers<[1], [0], [0], [1], [0, 0, 1, 1], [], []>, transpose_lhs_hint = false} : vector<1152x32xf32>, vector<32x1024xf32>, vector<1152x1024xf32> -> vector<1152x1024xf32>
    %mul3A = arith.mulf %get3A_7, %get3A_7 : vector<32x1024xf32>
    %reduce_sum3A = arith.constant dense<0.000000e+00> : vector<1024xf32>
    %reduce_sum3A_9 = vector.multi_reduction <add>, %mul3A, %reduce_sum3A [0] : vector<32x1024xf32> to vector<1024xf32>
    %broadcast_in_dim3A_10 = vector.shape_cast %reduce_sum3A_9 : vector<1024xf32> to vector<1x1024xf32>
    %mul3A_11 = arith.constant 2.000000e+00 : f32
    %mul3A_12 = vector.broadcast %mul3A_11 : f32 to vector<1152x1024xf32>
    %mul3A_13 = arith.mulf %mul3A_12, %dot_general3A_8 : vector<1152x1024xf32>
    %sub3A = vector.broadcast %broadcast_in_dim3A_10 : vector<1x1024xf32> to vector<1152x1024xf32>
    %sub3A_14 = arith.subf %sub3A, %mul3A_13 : vector<1152x1024xf32>
    %reduce_min3A = arith.constant dense<0x7F800000> : vector<1152xf32>
    %reduce_min3A_15 = vector.multi_reduction <minimumf>, %sub3A_14, %reduce_min3A [1] : vector<1152x1024xf32> to vector<1152xf32>
    %broadcast_in_dim3A_16 = vector.shape_cast %reduce_min3A_15 : vector<1152xf32> to vector<1152x1xf32>
    %iota3A = tpu.iota {dimensions = array<i32: 1>} : vector<1152x1024xi32>
    %eq3A = vector.broadcast %broadcast_in_dim3A_16 : vector<1152x1xf32> to vector<1152x1024xf32>
    %eq3A_17 = arith.cmpf oeq, %sub3A_14, %eq3A : vector<1152x1024xf32>
    %jit3A = arith.constant 1073741824 : i32
    %broadcast_in_dim3A_18 = vector.broadcast %jit3A : i32 to vector<1152x1024xi32>
    %select_n3A = arith.select %eq3A_17, %iota3A, %broadcast_in_dim3A_18 : vector<1152x1024xi1>, vector<1152x1024xi32>
    %reduce_min3A_19 = arith.constant dense<2147483647> : vector<1152xi32>
    %reduce_min3A_20 = vector.multi_reduction <minsi>, %select_n3A, %reduce_min3A_19 [1] : vector<1152x1024xi32> to vector<1152xi32>
    %broadcast_in_dim3A_21 = vector.shape_cast %reduce_min3A_20 : vector<1152xi32> to vector<1152x1xi32>
    %lt3A = arith.cmpf olt, %broadcast_in_dim3A_16, %broadcast_in_dim3A_2 : vector<1152x1xf32>
    %add3A = arith.constant 0 : i32
    %add3A_22 = vector.broadcast %add3A : i32 to vector<1152x1xi32>
    %add3A_23 = arith.addi %broadcast_in_dim3A_21, %add3A_22 : vector<1152x1xi32>
    %select_n3A_24 = arith.select %lt3A, %add3A_23, %broadcast_in_dim3A_4 : vector<1152x1xi1>, vector<1152x1xi32>
    %min3A = arith.minimumf %broadcast_in_dim3A_2, %broadcast_in_dim3A_16 : vector<1152x1xf32>
    %get3A_25 = arith.constant 0 : index
    %get3A_26 = arith.constant 1024 : index
    %get3A_27 = vector.load %arg2[%get3A_25, %get3A_26] : memref<32x8192xf32, #tpu.memory_space<vmem>>, vector<32x1024xf32>
    %dot_general3A_28 = arith.constant dense<0.000000e+00> : vector<1152x1024xf32>
    %dot_general3A_29 = tpu.matmul %get3A_1, %get3A_27, %dot_general3A_28 {dimension_numbers = #tpu.dot_dimension_numbers<[1], [0], [0], [1], [0, 0, 1, 1], [], []>, transpose_lhs_hint = false} : vector<1152x32xf32>, vector<32x1024xf32>, vector<1152x1024xf32> -> vector<1152x1024xf32>
    %mul3A_30 = arith.mulf %get3A_27, %get3A_27 : vector<32x1024xf32>
    %reduce_sum3A_31 = arith.constant dense<0.000000e+00> : vector<1024xf32>
    %reduce_sum3A_32 = vector.multi_reduction <add>, %mul3A_30, %reduce_sum3A_31 [0] : vector<32x1024xf32> to vector<1024xf32>
    %broadcast_in_dim3A_33 = vector.shape_cast %reduce_sum3A_32 : vector<1024xf32> to vector<1x1024xf32>
    %mul3A_34 = arith.constant 2.000000e+00 : f32
    %mul3A_35 = vector.broadcast %mul3A_34 : f32 to vector<1152x1024xf32>
    %mul3A_36 = arith.mulf %mul3A_35, %dot_general3A_29 : vector<1152x1024xf32>
    %sub3A_37 = vector.broadcast %broadcast_in_dim3A_33 : vector<1x1024xf32> to vector<1152x1024xf32>
    %sub3A_38 = arith.subf %sub3A_37, %mul3A_36 : vector<1152x1024xf32>
    %reduce_min3A_39 = arith.constant dense<0x7F800000> : vector<1152xf32>
    %reduce_min3A_40 = vector.multi_reduction <minimumf>, %sub3A_38, %reduce_min3A_39 [1] : vector<1152x1024xf32> to vector<1152xf32>
    %broadcast_in_dim3A_41 = vector.shape_cast %reduce_min3A_40 : vector<1152xf32> to vector<1152x1xf32>
    %iota3A_42 = tpu.iota {dimensions = array<i32: 1>} : vector<1152x1024xi32>
    %eq3A_43 = vector.broadcast %broadcast_in_dim3A_41 : vector<1152x1xf32> to vector<1152x1024xf32>
    %eq3A_44 = arith.cmpf oeq, %sub3A_38, %eq3A_43 : vector<1152x1024xf32>
    %jit3A_45 = arith.constant 1073741824 : i32
    %broadcast_in_dim3A_46 = vector.broadcast %jit3A_45 : i32 to vector<1152x1024xi32>
    %select_n3A_47 = arith.select %eq3A_44, %iota3A_42, %broadcast_in_dim3A_46 : vector<1152x1024xi1>, vector<1152x1024xi32>
    %reduce_min3A_48 = arith.constant dense<2147483647> : vector<1152xi32>
    %reduce_min3A_49 = vector.multi_reduction <minsi>, %select_n3A_47, %reduce_min3A_48 [1] : vector<1152x1024xi32> to vector<1152xi32>
    %broadcast_in_dim3A_50 = vector.shape_cast %reduce_min3A_49 : vector<1152xi32> to vector<1152x1xi32>
    %lt3A_51 = arith.cmpf olt, %broadcast_in_dim3A_41, %min3A : vector<1152x1xf32>
    %add3A_52 = arith.constant 1024 : i32
    %add3A_53 = vector.broadcast %add3A_52 : i32 to vector<1152x1xi32>
    %add3A_54 = arith.addi %broadcast_in_dim3A_50, %add3A_53 : vector<1152x1xi32>
    %select_n3A_55 = arith.select %lt3A_51, %add3A_54, %select_n3A_24 : vector<1152x1xi1>, vector<1152x1xi32>
    %min3A_56 = arith.minimumf %min3A, %broadcast_in_dim3A_41 : vector<1152x1xf32>
    %get3A_57 = arith.constant 0 : index
    %get3A_58 = arith.constant 2048 : index
    %get3A_59 = vector.load %arg2[%get3A_57, %get3A_58] : memref<32x8192xf32, #tpu.memory_space<vmem>>, vector<32x1024xf32>
    %dot_general3A_60 = arith.constant dense<0.000000e+00> : vector<1152x1024xf32>
    %dot_general3A_61 = tpu.matmul %get3A_1, %get3A_59, %dot_general3A_60 {dimension_numbers = #tpu.dot_dimension_numbers<[1], [0], [0], [1], [0, 0, 1, 1], [], []>, transpose_lhs_hint = false} : vector<1152x32xf32>, vector<32x1024xf32>, vector<1152x1024xf32> -> vector<1152x1024xf32>
    %mul3A_62 = arith.mulf %get3A_59, %get3A_59 : vector<32x1024xf32>
    %reduce_sum3A_63 = arith.constant dense<0.000000e+00> : vector<1024xf32>
    %reduce_sum3A_64 = vector.multi_reduction <add>, %mul3A_62, %reduce_sum3A_63 [0] : vector<32x1024xf32> to vector<1024xf32>
    %broadcast_in_dim3A_65 = vector.shape_cast %reduce_sum3A_64 : vector<1024xf32> to vector<1x1024xf32>
    %mul3A_66 = arith.constant 2.000000e+00 : f32
    %mul3A_67 = vector.broadcast %mul3A_66 : f32 to vector<1152x1024xf32>
    %mul3A_68 = arith.mulf %mul3A_67, %dot_general3A_61 : vector<1152x1024xf32>
    %sub3A_69 = vector.broadcast %broadcast_in_dim3A_65 : vector<1x1024xf32> to vector<1152x1024xf32>
    %sub3A_70 = arith.subf %sub3A_69, %mul3A_68 : vector<1152x1024xf32>
    %reduce_min3A_71 = arith.constant dense<0x7F800000> : vector<1152xf32>
    %reduce_min3A_72 = vector.multi_reduction <minimumf>, %sub3A_70, %reduce_min3A_71 [1] : vector<1152x1024xf32> to vector<1152xf32>
    %broadcast_in_dim3A_73 = vector.shape_cast %reduce_min3A_72 : vector<1152xf32> to vector<1152x1xf32>
    %iota3A_74 = tpu.iota {dimensions = array<i32: 1>} : vector<1152x1024xi32>
    %eq3A_75 = vector.broadcast %broadcast_in_dim3A_73 : vector<1152x1xf32> to vector<1152x1024xf32>
    %eq3A_76 = arith.cmpf oeq, %sub3A_70, %eq3A_75 : vector<1152x1024xf32>
    %jit3A_77 = arith.constant 1073741824 : i32
    %broadcast_in_dim3A_78 = vector.broadcast %jit3A_77 : i32 to vector<1152x1024xi32>
    %select_n3A_79 = arith.select %eq3A_76, %iota3A_74, %broadcast_in_dim3A_78 : vector<1152x1024xi1>, vector<1152x1024xi32>
    %reduce_min3A_80 = arith.constant dense<2147483647> : vector<1152xi32>
    %reduce_min3A_81 = vector.multi_reduction <minsi>, %select_n3A_79, %reduce_min3A_80 [1] : vector<1152x1024xi32> to vector<1152xi32>
    %broadcast_in_dim3A_82 = vector.shape_cast %reduce_min3A_81 : vector<1152xi32> to vector<1152x1xi32>
    %lt3A_83 = arith.cmpf olt, %broadcast_in_dim3A_73, %min3A_56 : vector<1152x1xf32>
    %add3A_84 = arith.constant 2048 : i32
    %add3A_85 = vector.broadcast %add3A_84 : i32 to vector<1152x1xi32>
    %add3A_86 = arith.addi %broadcast_in_dim3A_82, %add3A_85 : vector<1152x1xi32>
    %select_n3A_87 = arith.select %lt3A_83, %add3A_86, %select_n3A_55 : vector<1152x1xi1>, vector<1152x1xi32>
    %min3A_88 = arith.minimumf %min3A_56, %broadcast_in_dim3A_73 : vector<1152x1xf32>
    %get3A_89 = arith.constant 0 : index
    %get3A_90 = arith.constant 3072 : index
    %get3A_91 = vector.load %arg2[%get3A_89, %get3A_90] : memref<32x8192xf32, #tpu.memory_space<vmem>>, vector<32x1024xf32>
    %dot_general3A_92 = arith.constant dense<0.000000e+00> : vector<1152x1024xf32>
    %dot_general3A_93 = tpu.matmul %get3A_1, %get3A_91, %dot_general3A_92 {dimension_numbers = #tpu.dot_dimension_numbers<[1], [0], [0], [1], [0, 0, 1, 1], [], []>, transpose_lhs_hint = false} : vector<1152x32xf32>, vector<32x1024xf32>, vector<1152x1024xf32> -> vector<1152x1024xf32>
    %mul3A_94 = arith.mulf %get3A_91, %get3A_91 : vector<32x1024xf32>
    %reduce_sum3A_95 = arith.constant dense<0.000000e+00> : vector<1024xf32>
    %reduce_sum3A_96 = vector.multi_reduction <add>, %mul3A_94, %reduce_sum3A_95 [0] : vector<32x1024xf32> to vector<1024xf32>
    %broadcast_in_dim3A_97 = vector.shape_cast %reduce_sum3A_96 : vector<1024xf32> to vector<1x1024xf32>
    %mul3A_98 = arith.constant 2.000000e+00 : f32
    %mul3A_99 = vector.broadcast %mul3A_98 : f32 to vector<1152x1024xf32>
    %mul3A_100 = arith.mulf %mul3A_99, %dot_general3A_93 : vector<1152x1024xf32>
    %sub3A_101 = vector.broadcast %broadcast_in_dim3A_97 : vector<1x1024xf32> to vector<1152x1024xf32>
    %sub3A_102 = arith.subf %sub3A_101, %mul3A_100 : vector<1152x1024xf32>
    %reduce_min3A_103 = arith.constant dense<0x7F800000> : vector<1152xf32>
    %reduce_min3A_104 = vector.multi_reduction <minimumf>, %sub3A_102, %reduce_min3A_103 [1] : vector<1152x1024xf32> to vector<1152xf32>
    %broadcast_in_dim3A_105 = vector.shape_cast %reduce_min3A_104 : vector<1152xf32> to vector<1152x1xf32>
    %iota3A_106 = tpu.iota {dimensions = array<i32: 1>} : vector<1152x1024xi32>
    %eq3A_107 = vector.broadcast %broadcast_in_dim3A_105 : vector<1152x1xf32> to vector<1152x1024xf32>
    %eq3A_108 = arith.cmpf oeq, %sub3A_102, %eq3A_107 : vector<1152x1024xf32>
    %jit3A_109 = arith.constant 1073741824 : i32
    %broadcast_in_dim3A_110 = vector.broadcast %jit3A_109 : i32 to vector<1152x1024xi32>
    %select_n3A_111 = arith.select %eq3A_108, %iota3A_106, %broadcast_in_dim3A_110 : vector<1152x1024xi1>, vector<1152x1024xi32>
    %reduce_min3A_112 = arith.constant dense<2147483647> : vector<1152xi32>
    %reduce_min3A_113 = vector.multi_reduction <minsi>, %select_n3A_111, %reduce_min3A_112 [1] : vector<1152x1024xi32> to vector<1152xi32>
    %broadcast_in_dim3A_114 = vector.shape_cast %reduce_min3A_113 : vector<1152xi32> to vector<1152x1xi32>
    %lt3A_115 = arith.cmpf olt, %broadcast_in_dim3A_105, %min3A_88 : vector<1152x1xf32>
    %add3A_116 = arith.constant 3072 : i32
    %add3A_117 = vector.broadcast %add3A_116 : i32 to vector<1152x1xi32>
    %add3A_118 = arith.addi %broadcast_in_dim3A_114, %add3A_117 : vector<1152x1xi32>
    %select_n3A_119 = arith.select %lt3A_115, %add3A_118, %select_n3A_87 : vector<1152x1xi1>, vector<1152x1xi32>
    %min3A_120 = arith.minimumf %min3A_88, %broadcast_in_dim3A_105 : vector<1152x1xf32>
    %get3A_121 = arith.constant 0 : index
    %get3A_122 = arith.constant 4096 : index
    %get3A_123 = vector.load %arg2[%get3A_121, %get3A_122] : memref<32x8192xf32, #tpu.memory_space<vmem>>, vector<32x1024xf32>
    %dot_general3A_124 = arith.constant dense<0.000000e+00> : vector<1152x1024xf32>
    %dot_general3A_125 = tpu.matmul %get3A_1, %get3A_123, %dot_general3A_124 {dimension_numbers = #tpu.dot_dimension_numbers<[1], [0], [0], [1], [0, 0, 1, 1], [], []>, transpose_lhs_hint = false} : vector<1152x32xf32>, vector<32x1024xf32>, vector<1152x1024xf32> -> vector<1152x1024xf32>
    %mul3A_126 = arith.mulf %get3A_123, %get3A_123 : vector<32x1024xf32>
    %reduce_sum3A_127 = arith.constant dense<0.000000e+00> : vector<1024xf32>
    %reduce_sum3A_128 = vector.multi_reduction <add>, %mul3A_126, %reduce_sum3A_127 [0] : vector<32x1024xf32> to vector<1024xf32>
    %broadcast_in_dim3A_129 = vector.shape_cast %reduce_sum3A_128 : vector<1024xf32> to vector<1x1024xf32>
    %mul3A_130 = arith.constant 2.000000e+00 : f32
    %mul3A_131 = vector.broadcast %mul3A_130 : f32 to vector<1152x1024xf32>
    %mul3A_132 = arith.mulf %mul3A_131, %dot_general3A_125 : vector<1152x1024xf32>
    %sub3A_133 = vector.broadcast %broadcast_in_dim3A_129 : vector<1x1024xf32> to vector<1152x1024xf32>
    %sub3A_134 = arith.subf %sub3A_133, %mul3A_132 : vector<1152x1024xf32>
    %reduce_min3A_135 = arith.constant dense<0x7F800000> : vector<1152xf32>
    %reduce_min3A_136 = vector.multi_reduction <minimumf>, %sub3A_134, %reduce_min3A_135 [1] : vector<1152x1024xf32> to vector<1152xf32>
    %broadcast_in_dim3A_137 = vector.shape_cast %reduce_min3A_136 : vector<1152xf32> to vector<1152x1xf32>
    %iota3A_138 = tpu.iota {dimensions = array<i32: 1>} : vector<1152x1024xi32>
    %eq3A_139 = vector.broadcast %broadcast_in_dim3A_137 : vector<1152x1xf32> to vector<1152x1024xf32>
    %eq3A_140 = arith.cmpf oeq, %sub3A_134, %eq3A_139 : vector<1152x1024xf32>
    %jit3A_141 = arith.constant 1073741824 : i32
    %broadcast_in_dim3A_142 = vector.broadcast %jit3A_141 : i32 to vector<1152x1024xi32>
    %select_n3A_143 = arith.select %eq3A_140, %iota3A_138, %broadcast_in_dim3A_142 : vector<1152x1024xi1>, vector<1152x1024xi32>
    %reduce_min3A_144 = arith.constant dense<2147483647> : vector<1152xi32>
    %reduce_min3A_145 = vector.multi_reduction <minsi>, %select_n3A_143, %reduce_min3A_144 [1] : vector<1152x1024xi32> to vector<1152xi32>
    %broadcast_in_dim3A_146 = vector.shape_cast %reduce_min3A_145 : vector<1152xi32> to vector<1152x1xi32>
    %lt3A_147 = arith.cmpf olt, %broadcast_in_dim3A_137, %min3A_120 : vector<1152x1xf32>
    %add3A_148 = arith.constant 4096 : i32
    %add3A_149 = vector.broadcast %add3A_148 : i32 to vector<1152x1xi32>
    %add3A_150 = arith.addi %broadcast_in_dim3A_146, %add3A_149 : vector<1152x1xi32>
    %select_n3A_151 = arith.select %lt3A_147, %add3A_150, %select_n3A_119 : vector<1152x1xi1>, vector<1152x1xi32>
    %min3A_152 = arith.minimumf %min3A_120, %broadcast_in_dim3A_137 : vector<1152x1xf32>
    %get3A_153 = arith.constant 0 : index
    %get3A_154 = arith.constant 5120 : index
    %get3A_155 = vector.load %arg2[%get3A_153, %get3A_154] : memref<32x8192xf32, #tpu.memory_space<vmem>>, vector<32x1024xf32>
    %dot_general3A_156 = arith.constant dense<0.000000e+00> : vector<1152x1024xf32>
    %dot_general3A_157 = tpu.matmul %get3A_1, %get3A_155, %dot_general3A_156 {dimension_numbers = #tpu.dot_dimension_numbers<[1], [0], [0], [1], [0, 0, 1, 1], [], []>, transpose_lhs_hint = false} : vector<1152x32xf32>, vector<32x1024xf32>, vector<1152x1024xf32> -> vector<1152x1024xf32>
    %mul3A_158 = arith.mulf %get3A_155, %get3A_155 : vector<32x1024xf32>
    %reduce_sum3A_159 = arith.constant dense<0.000000e+00> : vector<1024xf32>
    %reduce_sum3A_160 = vector.multi_reduction <add>, %mul3A_158, %reduce_sum3A_159 [0] : vector<32x1024xf32> to vector<1024xf32>
    %broadcast_in_dim3A_161 = vector.shape_cast %reduce_sum3A_160 : vector<1024xf32> to vector<1x1024xf32>
    %mul3A_162 = arith.constant 2.000000e+00 : f32
    %mul3A_163 = vector.broadcast %mul3A_162 : f32 to vector<1152x1024xf32>
    %mul3A_164 = arith.mulf %mul3A_163, %dot_general3A_157 : vector<1152x1024xf32>
    %sub3A_165 = vector.broadcast %broadcast_in_dim3A_161 : vector<1x1024xf32> to vector<1152x1024xf32>
    %sub3A_166 = arith.subf %sub3A_165, %mul3A_164 : vector<1152x1024xf32>
    %reduce_min3A_167 = arith.constant dense<0x7F800000> : vector<1152xf32>
    %reduce_min3A_168 = vector.multi_reduction <minimumf>, %sub3A_166, %reduce_min3A_167 [1] : vector<1152x1024xf32> to vector<1152xf32>
    %broadcast_in_dim3A_169 = vector.shape_cast %reduce_min3A_168 : vector<1152xf32> to vector<1152x1xf32>
    %iota3A_170 = tpu.iota {dimensions = array<i32: 1>} : vector<1152x1024xi32>
    %eq3A_171 = vector.broadcast %broadcast_in_dim3A_169 : vector<1152x1xf32> to vector<1152x1024xf32>
    %eq3A_172 = arith.cmpf oeq, %sub3A_166, %eq3A_171 : vector<1152x1024xf32>
    %jit3A_173 = arith.constant 1073741824 : i32
    %broadcast_in_dim3A_174 = vector.broadcast %jit3A_173 : i32 to vector<1152x1024xi32>
    %select_n3A_175 = arith.select %eq3A_172, %iota3A_170, %broadcast_in_dim3A_174 : vector<1152x1024xi1>, vector<1152x1024xi32>
    %reduce_min3A_176 = arith.constant dense<2147483647> : vector<1152xi32>
    %reduce_min3A_177 = vector.multi_reduction <minsi>, %select_n3A_175, %reduce_min3A_176 [1] : vector<1152x1024xi32> to vector<1152xi32>
    %broadcast_in_dim3A_178 = vector.shape_cast %reduce_min3A_177 : vector<1152xi32> to vector<1152x1xi32>
    %lt3A_179 = arith.cmpf olt, %broadcast_in_dim3A_169, %min3A_152 : vector<1152x1xf32>
    %add3A_180 = arith.constant 5120 : i32
    %add3A_181 = vector.broadcast %add3A_180 : i32 to vector<1152x1xi32>
    %add3A_182 = arith.addi %broadcast_in_dim3A_178, %add3A_181 : vector<1152x1xi32>
    %select_n3A_183 = arith.select %lt3A_179, %add3A_182, %select_n3A_151 : vector<1152x1xi1>, vector<1152x1xi32>
    %min3A_184 = arith.minimumf %min3A_152, %broadcast_in_dim3A_169 : vector<1152x1xf32>
    %get3A_185 = arith.constant 0 : index
    %get3A_186 = arith.constant 6144 : index
    %get3A_187 = vector.load %arg2[%get3A_185, %get3A_186] : memref<32x8192xf32, #tpu.memory_space<vmem>>, vector<32x1024xf32>
    %dot_general3A_188 = arith.constant dense<0.000000e+00> : vector<1152x1024xf32>
    %dot_general3A_189 = tpu.matmul %get3A_1, %get3A_187, %dot_general3A_188 {dimension_numbers = #tpu.dot_dimension_numbers<[1], [0], [0], [1], [0, 0, 1, 1], [], []>, transpose_lhs_hint = false} : vector<1152x32xf32>, vector<32x1024xf32>, vector<1152x1024xf32> -> vector<1152x1024xf32>
    %mul3A_190 = arith.mulf %get3A_187, %get3A_187 : vector<32x1024xf32>
    %reduce_sum3A_191 = arith.constant dense<0.000000e+00> : vector<1024xf32>
    %reduce_sum3A_192 = vector.multi_reduction <add>, %mul3A_190, %reduce_sum3A_191 [0] : vector<32x1024xf32> to vector<1024xf32>
    %broadcast_in_dim3A_193 = vector.shape_cast %reduce_sum3A_192 : vector<1024xf32> to vector<1x1024xf32>
    %mul3A_194 = arith.constant 2.000000e+00 : f32
    %mul3A_195 = vector.broadcast %mul3A_194 : f32 to vector<1152x1024xf32>
    %mul3A_196 = arith.mulf %mul3A_195, %dot_general3A_189 : vector<1152x1024xf32>
    %sub3A_197 = vector.broadcast %broadcast_in_dim3A_193 : vector<1x1024xf32> to vector<1152x1024xf32>
    %sub3A_198 = arith.subf %sub3A_197, %mul3A_196 : vector<1152x1024xf32>
    %reduce_min3A_199 = arith.constant dense<0x7F800000> : vector<1152xf32>
    %reduce_min3A_200 = vector.multi_reduction <minimumf>, %sub3A_198, %reduce_min3A_199 [1] : vector<1152x1024xf32> to vector<1152xf32>
    %broadcast_in_dim3A_201 = vector.shape_cast %reduce_min3A_200 : vector<1152xf32> to vector<1152x1xf32>
    %iota3A_202 = tpu.iota {dimensions = array<i32: 1>} : vector<1152x1024xi32>
    %eq3A_203 = vector.broadcast %broadcast_in_dim3A_201 : vector<1152x1xf32> to vector<1152x1024xf32>
    %eq3A_204 = arith.cmpf oeq, %sub3A_198, %eq3A_203 : vector<1152x1024xf32>
    %jit3A_205 = arith.constant 1073741824 : i32
    %broadcast_in_dim3A_206 = vector.broadcast %jit3A_205 : i32 to vector<1152x1024xi32>
    %select_n3A_207 = arith.select %eq3A_204, %iota3A_202, %broadcast_in_dim3A_206 : vector<1152x1024xi1>, vector<1152x1024xi32>
    %reduce_min3A_208 = arith.constant dense<2147483647> : vector<1152xi32>
    %reduce_min3A_209 = vector.multi_reduction <minsi>, %select_n3A_207, %reduce_min3A_208 [1] : vector<1152x1024xi32> to vector<1152xi32>
    %broadcast_in_dim3A_210 = vector.shape_cast %reduce_min3A_209 : vector<1152xi32> to vector<1152x1xi32>
    %lt3A_211 = arith.cmpf olt, %broadcast_in_dim3A_201, %min3A_184 : vector<1152x1xf32>
    %add3A_212 = arith.constant 6144 : i32
    %add3A_213 = vector.broadcast %add3A_212 : i32 to vector<1152x1xi32>
    %add3A_214 = arith.addi %broadcast_in_dim3A_210, %add3A_213 : vector<1152x1xi32>
    %select_n3A_215 = arith.select %lt3A_211, %add3A_214, %select_n3A_183 : vector<1152x1xi1>, vector<1152x1xi32>
    %min3A_216 = arith.minimumf %min3A_184, %broadcast_in_dim3A_201 : vector<1152x1xf32>
    %get3A_217 = arith.constant 0 : index
    %get3A_218 = arith.constant 7168 : index
    %get3A_219 = vector.load %arg2[%get3A_217, %get3A_218] : memref<32x8192xf32, #tpu.memory_space<vmem>>, vector<32x1024xf32>
    %dot_general3A_220 = arith.constant dense<0.000000e+00> : vector<1152x1024xf32>
    %dot_general3A_221 = tpu.matmul %get3A_1, %get3A_219, %dot_general3A_220 {dimension_numbers = #tpu.dot_dimension_numbers<[1], [0], [0], [1], [0, 0, 1, 1], [], []>, transpose_lhs_hint = false} : vector<1152x32xf32>, vector<32x1024xf32>, vector<1152x1024xf32> -> vector<1152x1024xf32>
    %mul3A_222 = arith.mulf %get3A_219, %get3A_219 : vector<32x1024xf32>
    %reduce_sum3A_223 = arith.constant dense<0.000000e+00> : vector<1024xf32>
    %reduce_sum3A_224 = vector.multi_reduction <add>, %mul3A_222, %reduce_sum3A_223 [0] : vector<32x1024xf32> to vector<1024xf32>
    %broadcast_in_dim3A_225 = vector.shape_cast %reduce_sum3A_224 : vector<1024xf32> to vector<1x1024xf32>
    %mul3A_226 = arith.constant 2.000000e+00 : f32
    %mul3A_227 = vector.broadcast %mul3A_226 : f32 to vector<1152x1024xf32>
    %mul3A_228 = arith.mulf %mul3A_227, %dot_general3A_221 : vector<1152x1024xf32>
    %sub3A_229 = vector.broadcast %broadcast_in_dim3A_225 : vector<1x1024xf32> to vector<1152x1024xf32>
    %sub3A_230 = arith.subf %sub3A_229, %mul3A_228 : vector<1152x1024xf32>
    %reduce_min3A_231 = arith.constant dense<0x7F800000> : vector<1152xf32>
    %reduce_min3A_232 = vector.multi_reduction <minimumf>, %sub3A_230, %reduce_min3A_231 [1] : vector<1152x1024xf32> to vector<1152xf32>
    %broadcast_in_dim3A_233 = vector.shape_cast %reduce_min3A_232 : vector<1152xf32> to vector<1152x1xf32>
    %iota3A_234 = tpu.iota {dimensions = array<i32: 1>} : vector<1152x1024xi32>
    %eq3A_235 = vector.broadcast %broadcast_in_dim3A_233 : vector<1152x1xf32> to vector<1152x1024xf32>
    %eq3A_236 = arith.cmpf oeq, %sub3A_230, %eq3A_235 : vector<1152x1024xf32>
    %jit3A_237 = arith.constant 1073741824 : i32
    %broadcast_in_dim3A_238 = vector.broadcast %jit3A_237 : i32 to vector<1152x1024xi32>
    %select_n3A_239 = arith.select %eq3A_236, %iota3A_234, %broadcast_in_dim3A_238 : vector<1152x1024xi1>, vector<1152x1024xi32>
    %reduce_min3A_240 = arith.constant dense<2147483647> : vector<1152xi32>
    %reduce_min3A_241 = vector.multi_reduction <minsi>, %select_n3A_239, %reduce_min3A_240 [1] : vector<1152x1024xi32> to vector<1152xi32>
    %broadcast_in_dim3A_242 = vector.shape_cast %reduce_min3A_241 : vector<1152xi32> to vector<1152x1xi32>
    %lt3A_243 = arith.cmpf olt, %broadcast_in_dim3A_233, %min3A_216 : vector<1152x1xf32>
    %add3A_244 = arith.constant 7168 : i32
    %add3A_245 = vector.broadcast %add3A_244 : i32 to vector<1152x1xi32>
    %add3A_246 = arith.addi %broadcast_in_dim3A_242, %add3A_245 : vector<1152x1xi32>
    %select_n3A_247 = arith.select %lt3A_243, %add3A_246, %select_n3A_215 : vector<1152x1xi1>, vector<1152x1xi32>
    %broadcast_in_dim3A_248 = arith.constant 0.000000e+00 : f32
    %broadcast_in_dim3A_249 = vector.broadcast %broadcast_in_dim3A_248 : f32 to vector<1152x32xf32>
    %iota3A_250 = tpu.iota {dimensions = array<i32: 1>} : vector<1152x1024xi32>
    %add3A_251 = arith.constant 0 : i32
    %add3A_252 = vector.broadcast %add3A_251 : i32 to vector<1152x1024xi32>
    %add3A_253 = arith.addi %iota3A_250, %add3A_252 : vector<1152x1024xi32>
    %eq3A_254 = vector.broadcast %select_n3A_247 : vector<1152x1xi32> to vector<1152x1024xi32>
    %eq3A_255 = arith.cmpi eq, %add3A_253, %eq3A_254 : vector<1152x1024xi32>
    %convert_element_type3A = arith.extui %eq3A_255 : vector<1152x1024xi1> to vector<1152x1024xi32>
    %convert_element_type3A_256 = arith.sitofp %convert_element_type3A : vector<1152x1024xi32> to vector<1152x1024xf32>
    %get3A_257 = arith.constant 0 : index
    %get3A_258 = arith.constant 0 : index
    %get3A_259 = vector.load %arg3[%get3A_257, %get3A_258] : memref<8192x32xf32, #tpu.memory_space<vmem>>, vector<1024x32xf32>
    %dot_general3A_260 = arith.constant dense<0.000000e+00> : vector<1152x32xf32>
    %dot_general3A_261 = tpu.matmul %convert_element_type3A_256, %get3A_259, %dot_general3A_260 {dimension_numbers = #tpu.dot_dimension_numbers<[1], [0], [0], [1], [0, 0, 1, 1], [], []>, transpose_lhs_hint = false} : vector<1152x1024xf32>, vector<1024x32xf32>, vector<1152x32xf32> -> vector<1152x32xf32>
    %add3A_262 = arith.addf %broadcast_in_dim3A_249, %dot_general3A_261 : vector<1152x32xf32>
    %iota3A_263 = tpu.iota {dimensions = array<i32: 1>} : vector<1152x1024xi32>
    %add3A_264 = arith.constant 1024 : i32
    %add3A_265 = vector.broadcast %add3A_264 : i32 to vector<1152x1024xi32>
    %add3A_266 = arith.addi %iota3A_263, %add3A_265 : vector<1152x1024xi32>
    %eq3A_267 = vector.broadcast %select_n3A_247 : vector<1152x1xi32> to vector<1152x1024xi32>
    %eq3A_268 = arith.cmpi eq, %add3A_266, %eq3A_267 : vector<1152x1024xi32>
    %convert_element_type3A_269 = arith.extui %eq3A_268 : vector<1152x1024xi1> to vector<1152x1024xi32>
    %convert_element_type3A_270 = arith.sitofp %convert_element_type3A_269 : vector<1152x1024xi32> to vector<1152x1024xf32>
    %get3A_271 = arith.constant 1024 : index
    %get3A_272 = arith.constant 0 : index
    %get3A_273 = vector.load %arg3[%get3A_271, %get3A_272] : memref<8192x32xf32, #tpu.memory_space<vmem>>, vector<1024x32xf32>
    %dot_general3A_274 = arith.constant dense<0.000000e+00> : vector<1152x32xf32>
    %dot_general3A_275 = tpu.matmul %convert_element_type3A_270, %get3A_273, %dot_general3A_274 {dimension_numbers = #tpu.dot_dimension_numbers<[1], [0], [0], [1], [0, 0, 1, 1], [], []>, transpose_lhs_hint = false} : vector<1152x1024xf32>, vector<1024x32xf32>, vector<1152x32xf32> -> vector<1152x32xf32>
    %add3A_276 = arith.addf %add3A_262, %dot_general3A_275 : vector<1152x32xf32>
    %iota3A_277 = tpu.iota {dimensions = array<i32: 1>} : vector<1152x1024xi32>
    %add3A_278 = arith.constant 2048 : i32
    %add3A_279 = vector.broadcast %add3A_278 : i32 to vector<1152x1024xi32>
    %add3A_280 = arith.addi %iota3A_277, %add3A_279 : vector<1152x1024xi32>
    %eq3A_281 = vector.broadcast %select_n3A_247 : vector<1152x1xi32> to vector<1152x1024xi32>
    %eq3A_282 = arith.cmpi eq, %add3A_280, %eq3A_281 : vector<1152x1024xi32>
    %convert_element_type3A_283 = arith.extui %eq3A_282 : vector<1152x1024xi1> to vector<1152x1024xi32>
    %convert_element_type3A_284 = arith.sitofp %convert_element_type3A_283 : vector<1152x1024xi32> to vector<1152x1024xf32>
    %get3A_285 = arith.constant 2048 : index
    %get3A_286 = arith.constant 0 : index
    %get3A_287 = vector.load %arg3[%get3A_285, %get3A_286] : memref<8192x32xf32, #tpu.memory_space<vmem>>, vector<1024x32xf32>
    %dot_general3A_288 = arith.constant dense<0.000000e+00> : vector<1152x32xf32>
    %dot_general3A_289 = tpu.matmul %convert_element_type3A_284, %get3A_287, %dot_general3A_288 {dimension_numbers = #tpu.dot_dimension_numbers<[1], [0], [0], [1], [0, 0, 1, 1], [], []>, transpose_lhs_hint = false} : vector<1152x1024xf32>, vector<1024x32xf32>, vector<1152x32xf32> -> vector<1152x32xf32>
    %add3A_290 = arith.addf %add3A_276, %dot_general3A_289 : vector<1152x32xf32>
    %iota3A_291 = tpu.iota {dimensions = array<i32: 1>} : vector<1152x1024xi32>
    %add3A_292 = arith.constant 3072 : i32
    %add3A_293 = vector.broadcast %add3A_292 : i32 to vector<1152x1024xi32>
    %add3A_294 = arith.addi %iota3A_291, %add3A_293 : vector<1152x1024xi32>
    %eq3A_295 = vector.broadcast %select_n3A_247 : vector<1152x1xi32> to vector<1152x1024xi32>
    %eq3A_296 = arith.cmpi eq, %add3A_294, %eq3A_295 : vector<1152x1024xi32>
    %convert_element_type3A_297 = arith.extui %eq3A_296 : vector<1152x1024xi1> to vector<1152x1024xi32>
    %convert_element_type3A_298 = arith.sitofp %convert_element_type3A_297 : vector<1152x1024xi32> to vector<1152x1024xf32>
    %get3A_299 = arith.constant 3072 : index
    %get3A_300 = arith.constant 0 : index
    %get3A_301 = vector.load %arg3[%get3A_299, %get3A_300] : memref<8192x32xf32, #tpu.memory_space<vmem>>, vector<1024x32xf32>
    %dot_general3A_302 = arith.constant dense<0.000000e+00> : vector<1152x32xf32>
    %dot_general3A_303 = tpu.matmul %convert_element_type3A_298, %get3A_301, %dot_general3A_302 {dimension_numbers = #tpu.dot_dimension_numbers<[1], [0], [0], [1], [0, 0, 1, 1], [], []>, transpose_lhs_hint = false} : vector<1152x1024xf32>, vector<1024x32xf32>, vector<1152x32xf32> -> vector<1152x32xf32>
    %add3A_304 = arith.addf %add3A_290, %dot_general3A_303 : vector<1152x32xf32>
    %iota3A_305 = tpu.iota {dimensions = array<i32: 1>} : vector<1152x1024xi32>
    %add3A_306 = arith.constant 4096 : i32
    %add3A_307 = vector.broadcast %add3A_306 : i32 to vector<1152x1024xi32>
    %add3A_308 = arith.addi %iota3A_305, %add3A_307 : vector<1152x1024xi32>
    %eq3A_309 = vector.broadcast %select_n3A_247 : vector<1152x1xi32> to vector<1152x1024xi32>
    %eq3A_310 = arith.cmpi eq, %add3A_308, %eq3A_309 : vector<1152x1024xi32>
    %convert_element_type3A_311 = arith.extui %eq3A_310 : vector<1152x1024xi1> to vector<1152x1024xi32>
    %convert_element_type3A_312 = arith.sitofp %convert_element_type3A_311 : vector<1152x1024xi32> to vector<1152x1024xf32>
    %get3A_313 = arith.constant 4096 : index
    %get3A_314 = arith.constant 0 : index
    %get3A_315 = vector.load %arg3[%get3A_313, %get3A_314] : memref<8192x32xf32, #tpu.memory_space<vmem>>, vector<1024x32xf32>
    %dot_general3A_316 = arith.constant dense<0.000000e+00> : vector<1152x32xf32>
    %dot_general3A_317 = tpu.matmul %convert_element_type3A_312, %get3A_315, %dot_general3A_316 {dimension_numbers = #tpu.dot_dimension_numbers<[1], [0], [0], [1], [0, 0, 1, 1], [], []>, transpose_lhs_hint = false} : vector<1152x1024xf32>, vector<1024x32xf32>, vector<1152x32xf32> -> vector<1152x32xf32>
    %add3A_318 = arith.addf %add3A_304, %dot_general3A_317 : vector<1152x32xf32>
    %iota3A_319 = tpu.iota {dimensions = array<i32: 1>} : vector<1152x1024xi32>
    %add3A_320 = arith.constant 5120 : i32
    %add3A_321 = vector.broadcast %add3A_320 : i32 to vector<1152x1024xi32>
    %add3A_322 = arith.addi %iota3A_319, %add3A_321 : vector<1152x1024xi32>
    %eq3A_323 = vector.broadcast %select_n3A_247 : vector<1152x1xi32> to vector<1152x1024xi32>
    %eq3A_324 = arith.cmpi eq, %add3A_322, %eq3A_323 : vector<1152x1024xi32>
    %convert_element_type3A_325 = arith.extui %eq3A_324 : vector<1152x1024xi1> to vector<1152x1024xi32>
    %convert_element_type3A_326 = arith.sitofp %convert_element_type3A_325 : vector<1152x1024xi32> to vector<1152x1024xf32>
    %get3A_327 = arith.constant 5120 : index
    %get3A_328 = arith.constant 0 : index
    %get3A_329 = vector.load %arg3[%get3A_327, %get3A_328] : memref<8192x32xf32, #tpu.memory_space<vmem>>, vector<1024x32xf32>
    %dot_general3A_330 = arith.constant dense<0.000000e+00> : vector<1152x32xf32>
    %dot_general3A_331 = tpu.matmul %convert_element_type3A_326, %get3A_329, %dot_general3A_330 {dimension_numbers = #tpu.dot_dimension_numbers<[1], [0], [0], [1], [0, 0, 1, 1], [], []>, transpose_lhs_hint = false} : vector<1152x1024xf32>, vector<1024x32xf32>, vector<1152x32xf32> -> vector<1152x32xf32>
    %add3A_332 = arith.addf %add3A_318, %dot_general3A_331 : vector<1152x32xf32>
    %iota3A_333 = tpu.iota {dimensions = array<i32: 1>} : vector<1152x1024xi32>
    %add3A_334 = arith.constant 6144 : i32
    %add3A_335 = vector.broadcast %add3A_334 : i32 to vector<1152x1024xi32>
    %add3A_336 = arith.addi %iota3A_333, %add3A_335 : vector<1152x1024xi32>
    %eq3A_337 = vector.broadcast %select_n3A_247 : vector<1152x1xi32> to vector<1152x1024xi32>
    %eq3A_338 = arith.cmpi eq, %add3A_336, %eq3A_337 : vector<1152x1024xi32>
    %convert_element_type3A_339 = arith.extui %eq3A_338 : vector<1152x1024xi1> to vector<1152x1024xi32>
    %convert_element_type3A_340 = arith.sitofp %convert_element_type3A_339 : vector<1152x1024xi32> to vector<1152x1024xf32>
    %get3A_341 = arith.constant 6144 : index
    %get3A_342 = arith.constant 0 : index
    %get3A_343 = vector.load %arg3[%get3A_341, %get3A_342] : memref<8192x32xf32, #tpu.memory_space<vmem>>, vector<1024x32xf32>
    %dot_general3A_344 = arith.constant dense<0.000000e+00> : vector<1152x32xf32>
    %dot_general3A_345 = tpu.matmul %convert_element_type3A_340, %get3A_343, %dot_general3A_344 {dimension_numbers = #tpu.dot_dimension_numbers<[1], [0], [0], [1], [0, 0, 1, 1], [], []>, transpose_lhs_hint = false} : vector<1152x1024xf32>, vector<1024x32xf32>, vector<1152x32xf32> -> vector<1152x32xf32>
    %add3A_346 = arith.addf %add3A_332, %dot_general3A_345 : vector<1152x32xf32>
    %iota3A_347 = tpu.iota {dimensions = array<i32: 1>} : vector<1152x1024xi32>
    %add3A_348 = arith.constant 7168 : i32
    %add3A_349 = vector.broadcast %add3A_348 : i32 to vector<1152x1024xi32>
    %add3A_350 = arith.addi %iota3A_347, %add3A_349 : vector<1152x1024xi32>
    %eq3A_351 = vector.broadcast %select_n3A_247 : vector<1152x1xi32> to vector<1152x1024xi32>
    %eq3A_352 = arith.cmpi eq, %add3A_350, %eq3A_351 : vector<1152x1024xi32>
    %convert_element_type3A_353 = arith.extui %eq3A_352 : vector<1152x1024xi1> to vector<1152x1024xi32>
    %convert_element_type3A_354 = arith.sitofp %convert_element_type3A_353 : vector<1152x1024xi32> to vector<1152x1024xf32>
    %get3A_355 = arith.constant 7168 : index
    %get3A_356 = arith.constant 0 : index
    %get3A_357 = vector.load %arg3[%get3A_355, %get3A_356] : memref<8192x32xf32, #tpu.memory_space<vmem>>, vector<1024x32xf32>
    %dot_general3A_358 = arith.constant dense<0.000000e+00> : vector<1152x32xf32>
    %dot_general3A_359 = tpu.matmul %convert_element_type3A_354, %get3A_357, %dot_general3A_358 {dimension_numbers = #tpu.dot_dimension_numbers<[1], [0], [0], [1], [0, 0, 1, 1], [], []>, transpose_lhs_hint = false} : vector<1152x1024xf32>, vector<1024x32xf32>, vector<1152x32xf32> -> vector<1152x32xf32>
    %add3A_360 = arith.addf %add3A_346, %dot_general3A_359 : vector<1152x32xf32>
    %swap3A = arith.constant 0 : index
    %swap3A_361 = arith.constant 0 : index
    %swap3A_362 = vector.load %arg4[%swap3A, %swap3A_361] : memref<1152x1xi32, #tpu.memory_space<vmem>>, vector<1152x1xi32>
    tpu.vector_store %arg4[%swap3A, %swap3A_361], %select_n3A_247 {strides = array<i32>} : memref<1152x1xi32, #tpu.memory_space<vmem>>, vector<1152x1xi32>,
    %swap3A_363 = arith.constant 0 : index
    %swap3A_364 = arith.constant 0 : index
    %swap3A_365 = vector.load %arg5[%swap3A_363, %swap3A_364] : memref<1152x32xf32, #tpu.memory_space<vmem>>, vector<1152x32xf32>
    tpu.vector_store %arg5[%swap3A_363, %swap3A_364], %add3A_360 {strides = array<i32>} : memref<1152x32xf32, #tpu.memory_space<vmem>>, vector<1152x32xf32>,
    return
  }
  func.func @transform_0(%arg0: i32) -> (i32, i32) {
    %c0_i32 = arith.constant 0 : i32
    %c0_i32_0 = arith.constant 0 : i32
    return %arg0, %c0_i32 : i32, i32
  }
  func.func @transform_1(%arg0: i32) -> (i32, i32) {
    %c0_i32 = arith.constant 0 : i32
    %c0_i32_0 = arith.constant 0 : i32
    %c0_i32_1 = arith.constant 0 : i32
    return %c0_i32, %c0_i32_0 : i32, i32
  }
  func.func @transform_2(%arg0: i32) -> (i32, i32) {
    %c0_i32 = arith.constant 0 : i32
    %c0_i32_0 = arith.constant 0 : i32
    %c0_i32_1 = arith.constant 0 : i32
    return %c0_i32, %c0_i32_0 : i32, i32
  }
  func.func @transform_3(%arg0: i32) -> (i32, i32) {
    %c0_i32 = arith.constant 0 : i32
    %c0_i32_0 = arith.constant 0 : i32
    return %arg0, %c0_i32 : i32, i32
  }
  func.func @transform_4(%arg0: i32) -> (i32, i32) {
    %c0_i32 = arith.constant 0 : i32
    %c0_i32_0 = arith.constant 0 : i32
    return %arg0, %c0_i32 : i32, i32
  }
}

</mosaic_0001>

<sc_bundles>
// kernel: sparse-core-data-format-call.1.cloned.1.call-start
scs
called_computation.1_lowered:
.L_overlay_start_0:
0x0: {  	s1 =	sld [smem:$0x3FD9]  }
0x1: {  	s2 =	sld [smem:$0x3FFE];
	_ =	sdelay $0x1  }
0x2: {  	s3 =	srdreg.scid  }
0x3: {  	s0 =	sand.u32 $0x1, s3  }
0x4: {  	s17 =	sshll.u32 s0, $0xA;
	s1 =	sadd.s32 s2, s1  }
0x5: {  	s1 =	sadd.s32 s1, s17  }
0x6: {  	[smem:$0x3FBE] =	sst s1  }
0x7: {  	_ = 	snop  }
0x8: {  	(tm) =	ssettm $0x1  }
0x9: {  	s18 =	sld [smem:$0x3FFB];
	_ =	sdelay $0x3  }
0xa: {  	_ =	strace s18  }
0xb: {  	s1 =	sld [smem:$0x3FFC];
	_ =	sdelay $0x3  }
0xc: {  	_ =	strace s1  }
0xd: {  	s1 =	sld [smem:$0x3FFD];
	_ =	sdelay $0x3  }
0xe: {  	_ =	strace s1  }
0xf: {  	_ =	strace $0x8FFFFFFF  }
0x10: {  	s19 =	sld [smem:$0x3FDB];
	_ =	sdelay $0x1  }
0x11: {  	s20 =	simm.s32 $_scs_section_size  }
0x12: {  	s4 =	simm.s32 $_size__tile_overlayer_lowered;
	s5 =	simm.s32 $_tile_overlayer_lowered  }
0x13: {  	s23 =	simm.s32 $0x1BFF;
	s22 =	sshll.u32 s5, $0x1;
	s1 =	sadd.s32 s20, s19  }
0x14: {  	s6 =	simm.s32 $0x0;
	s21 =	sshll.u32 s4, $0x1;
	s4 =	sadd.s32 s22, s1  }
0x15: {  	[timem:s6], [sflag:s23] =	dma.local [hbm:s4], s21  }
0x16: {  	_ =	swait.ge [sflag:s23], s21  }
0x17: {  	s2 =	ssub.s32 $0x0, s21;
	[sflag:s23] =	ssyncset.done $0x0  }
0x18: {  	[sflag:s23] =	ssyncadd.s32 s2;
	_ =	sdelay $0x1  }
0x19: {  	s24 =	simm.s32 $0x1B8B  }
0x1a: {  	_ =	swait.ge [sflag:s24], $0x1  }
0x1b: {  	[sflag:s24] =	ssyncset.done $0x0  }
0x1c: {  	s26 =	simm.s32 $0x1B8E;
	s25 =	sld [smem:$0x3FFE];
	[sflag:s24] =	ssyncadd.s32 $0xFFFFFFFF  }
0x1d: {  	s27 =	simm.s32 $execute0_lowered;
	[smem:$0x3FD2] =	sst s26  }
0x1e: {  	s4 =	sshll.u32 s27, $0x1;
	_ =	strace $0x80000046;
	[dreg:$0x1] =	wrdreg $0xFFFFFFFF  }
0x1f: {  	s28 =	simm.s32 $_size_execute0_lowered;
	s1 =	sadd.s32 s1, s4;
	[dreg:$0x0] =	wrdreg $0x0  }
0x20: {  	s4 =	sshll.u32 s28, $0x1;
	[dreg:$0x2] =	wrdreg s1  }
0x21: {  	[dreg:$0x3] =	wrdreg s4  }
0x22: {  	[dreg:$0x4] =	wrdreg $0xC0  }
0x23: {  	_ =	task [dreg:s6], $0x5FFFF  }
0x24: {  	[dreg:$0x1] =	wrdreg $0xFFFFFFFF  }
0x25: {  	[dreg:$0x0] =	wrdreg $0x60  }
0x26: {  	[dreg:$0x2] =	wrdreg s25  }
0x27: {  	[dreg:$0x3] =	wrdreg $0x9  }
0x28: {  	_ =	task.clear_ibuf [dreg:s6], $0x4FFFF;
	_ =	strace $0x90000046  }
0x29: {  	s29 =	simm.s32 $0x9;
	_ =	strace $0x80000048  }
0x2a: {  	_ =	swait.ge [sflag:s29], $0x1  }
0x2b: {  	[sflag:s29] =	ssyncadd.s32 $0xFFFFFFFF  }
0x2c: {  	_ =	strace $0x90000048  }
0x2d: {  	_ =	sfence  }
0x2e: {  	s30 =	sld [smem:$0x0];
	_ =	sdelay $0x2  }
0x2f: {  	s31 =	sshll.u32 s3, $0xD;
	s3 =	sshrl.u32 s3, $0x2  }
0x30: {  	s2 =	sand.u32 $0x4000, s31;
	s1 =	sadd.s32 s3, s30  }
0x31: {  	s0 =	sor.u32 s2, s0;
	s1 =	sshll.u32 s1, $0x11  }
0x32: {  	s0 =	sor.u32 s1, s0  }
0x33: {  	s0 =	sadd.s32 $0x8F2B, s0  }
0x34: {  	[sflag:s0] =	ssyncadd.remote.s32 $0x1  }
0x35: {  	_ =	sfence.sel $0xFFFF  }
0x36: {  	[dreg:$0x0] =	wrdreg $0xFFFFFFFF;
	(pc) =	sbr.abs _section_cstart, $3  }
0x37: {  	[dreg:$0x1] =	wrdreg $0xFFFFFFFF  }
0x38: {  	_ =	task.clear_ibuf [dreg:s6], $0x2FFFF;
	_ =	strace $0x9FFFFFFF  }
0x39: {  	(tm) =	ssettm $0x7FFFFFFF  }
tec
execute0_lowered:
.L_overlay_start_1:
0x0: {  	(tag) =	ssettag $0x1  }
0x1: {  	s0 =	srdreg.scid  }
0x2: {  	s1 =	sshll.u32 s0, $0x4  }
0x3: {  	s0 =	stileid.u32;
	s1 =	sand.u32 $0x10, s1  }
0x4: {  	s5 =	rddreg [dreg:$0x0];
	s7 =	simm.s32 $0x2;
	s2 =	sor.u32 s0, s1  }
0x5: {  	s13 =	simm.s32 $0x0;
	s8 =	simm.s32 $0x200;
	s3 =	ssub.s32 $0x19, s2  }
0x6: {  	s9 =	simm.s32 $0x4B000;
	s10 =	simm.s32 $0x0;
	p0 =	sgt.s32 s3, $0x0  }
0x7: {  	s14 =	simm.s32 $0x0;
	s11 =	simm.s32 $0x0;
	s3 =	simm.s32 @!p0 $0x0  }
.Ltmp0:
0x8: {  	s12 =	simm.s32 $0x0;
	s4 =	sadd.s32 $0x1F, s3;
	(pc) =	sbr.rel .LBB1_1-.Ltmp0, $4  }
0x9: {  	s1 =	rddreg [dreg:$0x1];
	_ =	strace $0x80000047;
	s4 =	sshrl.u32 s4, $0x5  }
0xa: {  	s6 =	sshll.u32 s2, $0x8;
	s3 =	simm.s32 $0x1;
	s4 =	smul.u32 $0x18, s4  }
0xb: {  	s6 =	sadd.s32 s6, s5;
	s5 =	sadd.s32 $0x12DC00, s5;
	[sflag:s3] =	ssyncpa.u1 $0x0  }
0xc: {  	s6 =	sadd.s32 $0x1C00, s6;
	[sflag:s7] =	ssyncpa.u1 $0x0;
	s7 =	sor.u32 $0x1, s4  }
.LBB1_7:
0xd: {  	s15 =	sadd.s32 $0x8, s11  }
0xe: {  	p1 =	sgt.s32 s15, $0xBF  }
0xf: {  	s15 =	simm.s32 @p1 $0x0;
	p1 =	sne.s32 s12, s7  }
.Ltmp1:
0x10: {  	p0 =	slt.u32 s12, $0x2;
	(pc) =	sbr.rel @!p1 .LBB1_8-.Ltmp1, $4  }
0x11: {  	s13 =	simm.s32 @!p0 $0x2  }
0x12: {  	s16 =	sadd.s32 $0x1, s12;
	s14 =	smov.u32 s11;
	_ =	swait.ge @!p0 [sflag:s13], $0x4000  }
0x13: {  	s10 =	sadd.s32 $0x8000, s10;
	s12 =	smov.u32 s16;
	[sflag:s13] =	ssyncset.done @!p0 $0x0  }
0x14: {  	s11 =	smov.u32 s15;
	[sflag:s13] =	ssyncadd.s32 @!p0 $0xFFFFC000;
	s13 =	smov.u32 s2  }
.LBB1_1:
0x15: {  	p0 =	sge.u32 s12, s4  }
0x16: {  	s15 =	smul.u32 @!p0 $0x1900, s11;
	s16 =	sxor.u32 @!p0 $0xFFFFFFFF, s12  }
0x17: {  	s31 =	sadd.s32 $0xFFFFFFFF, s12;
	s17 =	simm.s32 @!p0 $0x800;
	s16 =	sshll.u32 @!p0 s16, $0xE  }
0x18: {  	s18 =	simm.s32 @!p0 $0xC800;
	s15 =	sadd.s32 @!p0 s15, s6;
	s16 =	sand.u32 @!p0 $0x4000, s16  }
0x19: {  	[tilespmem:s16], [sflag:$0x1] =	stream.strided.gather @!p0 [hbm4b:s15+s17], $0x4000, s18, s17, $0x38;
	[tilespmem:$0x10000] =	vst v63  }
0x1a: {  	p0 =	sge.u32 s31, s4  }
.Ltmp2:
0x1b: {  	_ = 	snop;
	(pc) =	sbr.rel @p0 .LBB1_7-.Ltmp2, $1  }
0x1c: {  	_ =	sdelay $0x3  }
0x1d: {  	s15 =	sshrl.u32 s10, $0x1;
	_ =	swait.ge [sflag:s3], $0x4000  }
0x1e: {  	s18 =	sshll.u32 s12, $0xE;
	s15 =	sand.u32 $0x4000, s15;
	[sflag:s3] =	ssyncset.done $0x0  }
0x1f: {  	s31 =	sand.u32 $0x4000, s18;
	s18 =	simm.s32 $0x0;
	s16 =	sor.u32 $0x800, s15  }
0x20: {  	s17 =	sor.u32 $0x8200, s15;
	[sflag:s3] =	ssyncadd.s32 $0xFFFFC000;
	s15 =	sor.u32 $0x8000, s31  }
.LBB1_3:
0x21: {  	v0 =	vld [tilespmem:s16+$0xFFFFF870]  }
0x22: {  	v1 =	vld [tilespmem:s16+$0x70]  }
0x23: {  	v2 =	vld [tilespmem:s16+$0x0]  }
0x24: {  	v3 =	vld [tilespmem:s16+$0xFFFFF810]  }
0x25: {  	v4 =	vld [tilespmem:s16+$0x10]  }
0x26: {  	v5 =	vld [tilespmem:s16+$0xFFFFF820]  }
0x27: {  	v7 =	vld [tilespmem:s16+$0x20]  }
0x28: {  	v11 =	vld [tilespmem:s16+$0x30];
	v6 =	vunpack.i.l.s16.s32 v0;
	v8 =	vunpack.i.u.s16.s32 v0;
	v9 =	vunpack.i.u.s16.s32 v1  }
0x29: {  	v10 =	vunpack.i.l.s16.s32 v1;
	v0 =	vunpack.i.u.s16.s32 v2;
	v1 =	vunpack.i.l.s16.s32 v2;
	v2 =	vld [tilespmem:s16+$0xFFFFF830]  }
0x2a: {  	v8 =	vpack.i.b32.b16 v9, v8;
	v9 =	vunpack.i.u.s16.s32 v3;
	v3 =	vunpack.i.l.s16.s32 v3  }
0x2b: {  	v12 =	vld [tilespmem:s16+$0xFFFFF840];
	v6 =	vpack.i.b32.b16 v10, v6;
	[tilespmem:s17+$0x70] =	vst v8;
	v8 =	vunpack.i.u.s16.s32 v4;
	v4 =	vunpack.i.l.s16.s32 v4  }
0x2c: {  	v13 =	vld [tilespmem:s16+$0x40];
	v10 =	vunpack.i.u.s16.s32 v5;
	v5 =	vunpack.i.l.s16.s32 v5;
	[tilespmem:s17+$0xFFFFFE70] =	vst v6;
	v3 =	vpack.i.b32.b16 v4, v3  }
0x2d: {  	v6 =	vunpack.i.l.s16.s32 v7;
	v4 =	vld [tilespmem:s16+$0xFFFFF850];
	[tilespmem:s17+$0xFFFFFE10] =	vst v3;
	v3 =	vpack.i.b32.b16 v8, v9;
	v8 =	vunpack.i.u.s16.s32 v7  }
0x2e: {  	v7 =	vunpack.i.l.s16.s32 v11;
	[tilespmem:s17+$0x10] =	vst v3;
	v3 =	vpack.i.b32.b16 v6, v5;
	v9 =	vunpack.i.u.s16.s32 v2;
	v6 =	vld [tilespmem:s16+$0x50]  }
0x2f: {  	v5 =	vunpack.i.l.s16.s32 v2;
	v2 =	vld [tilespmem:s16+$0xFFFFF860];
	[tilespmem:s17+$0xFFFFFE20] =	vst v3;
	v3 =	vpack.i.b32.b16 v8, v10;
	v10 =	vunpack.i.u.s16.s32 v11  }
0x30: {  	s21 =	simm.s32 $0x0;
	v11 =	vpack.i.b32.b16 v7, v5;
	v7 =	vunpack.i.u.s16.s32 v12;
	v8 =	vunpack.i.l.s16.s32 v12;
	[tilespmem:s17+$0x20] =	vst v3;
	v3 =	vld [tilespmem:s16+$0x60]  }
0x31: {  	s22 =	sadd.s32 $0x80, s16;
	s20 =	smov.u32 s17;
	s19 =	smov.u32 s17;
	v5 =	vld [tilespmem:s16+$0xFFFFF800];
	[tilespmem:s17+$0xFFFFFE30] =	vst v11;
	v10 =	vpack.i.b32.b16 v10, v9;
	v9 =	vunpack.i.u.s16.s32 v13;
	v11 =	vunpack.i.l.s16.s32 v13  }
.LBB1_4:
0x32: {  	v12 =	vld [tilespmem:s22+$0xFFFFF870];
	[tilespmem:s20+$0x30] =	vst v10;
	v8 =	vpack.i.b32.b16 v11, v8;
	v10 =	vunpack.i.u.s16.s32 v4;
	v4 =	vunpack.i.l.s16.s32 v4  }
0x33: {  	s21 =	sadd.s32 $0x2, s21;
	v7 =	vpack.i.b32.b16 v9, v7;
	v11 =	vld [tilespmem:s22+$0x70];
	[tilespmem:s20+$0xFFFFFE40] =	vst v8;
	v8 =	vunpack.i.u.s16.s32 v6;
	v6 =	vunpack.i.l.s16.s32 v6  }
0x34: {  	p0 =	slt.u32 s21, $0x1E;
	v9 =	vld [tilespmem:s22+$0x0];
	[tilespmem:s20+$0x40] =	vst v7;
	v4 =	vpack.i.b32.b16 v6, v4;
	v6 =	vunpack.i.u.s16.s32 v2;
	v2 =	vunpack.i.l.s16.s32 v2  }
0x35: {  	v7 =	vld [tilespmem:s22+$0xFFFFF810];
	[tilespmem:s20+$0xFFFFFE50] =	vst v4;
	v4 =	vpack.i.b32.b16 v8, v10;
	v8 =	vunpack.i.u.s16.s32 v3;
	v3 =	vunpack.i.l.s16.s32 v3  }
0x36: {  	v10 =	vld [tilespmem:s22+$0x10];
	v13 =	vunpack.i.u.s16.s32 v5;
	v5 =	vunpack.i.l.s16.s32 v5;
	[tilespmem:s20+$0x50] =	vst v4;
	v2 =	vpack.i.b32.b16 v3, v2  }
0x37: {  	v3 =	vld [tilespmem:s22+$0xFFFFF820];
	v4 =	vunpack.i.l.s16.s32 v12;
	v1 =	vpack.i.b32.b16 v1, v5;
	v5 =	vpack.i.b32.b16 v0, v13;
	[tilespmem:s20+$0xFFFFFE60] =	vst v2  }
0x38: {  	v12 =	vunpack.i.u.s16.s32 v12;
	v2 =	vld [tilespmem:s22+$0x20];
	v13 =	vunpack.i.u.s16.s32 v11;
	v11 =	vunpack.i.l.s16.s32 v11;
	[tilespmem:s20+$0xFFFFFE00] =	vst v1  }
0x39: {  	s20 =	sadd.s32 $0x400, s20;
	v0 =	vunpack.i.u.s16.s32 v9;
	v1 =	vunpack.i.l.s16.s32 v9;
	v9 =	vld [tilespmem:s22+$0xFFFFF830];
	v12 =	vpack.i.b32.b16 v13, v12;
	[tilespmem:s19+$0x0] =	vst v5  }
0x3a: {  	v6 =	vpack.i.b32.b16 v8, v6;
	v5 =	vunpack.i.u.s16.s32 v7;
	v7 =	vunpack.i.l.s16.s32 v7;
	v13 =	vld [tilespmem:s22+$0x30];
	[tilespmem:s20+$0x70] =	vst v12  }
0x3b: {  	v4 =	vpack.i.b32.b16 v11, v4;
	v8 =	vunpack.i.u.s16.s32 v10;
	v10 =	vunpack.i.l.s16.s32 v10;
	v12 =	vld [tilespmem:s22+$0xFFFFF840];
	[tilespmem:s19+$0x60] =	vst v6;
	s19 =	smov.u32 s20  }
0x3c: {  	v6 =	vpack.i.b32.b16 v10, v7;
	v7 =	vunpack.i.u.s16.s32 v3;
	v3 =	vunpack.i.l.s16.s32 v3;
	v11 =	vld [tilespmem:s22+$0x40];
	[tilespmem:s20+$0xFFFFFE70] =	vst v4  }
.Ltmp3:
0x3d: {  	v5 =	vpack.i.b32.b16 v8, v5;
	[tilespmem:s20+$0xFFFFFE10] =	vst v6;
	v8 =	vunpack.i.u.s16.s32 v2;
	v2 =	vunpack.i.l.s16.s32 v2;
	v4 =	vld [tilespmem:s22+$0xFFFFF850];
	(pc) =	sbr.rel @p0 .LBB1_4-.Ltmp3, $4  }
0x3e: {  	[tilespmem:s20+$0x10] =	vst v5;
	v2 =	vpack.i.b32.b16 v2, v3;
	v10 =	vunpack.i.u.s16.s32 v9;
	v3 =	vunpack.i.l.s16.s32 v9;
	v6 =	vld [tilespmem:s22+$0x50]  }
0x3f: {  	v5 =	vpack.i.b32.b16 v8, v7;
	[tilespmem:s20+$0xFFFFFE20] =	vst v2;
	v9 =	vunpack.i.u.s16.s32 v13;
	v7 =	vunpack.i.l.s16.s32 v13;
	v2 =	vld [tilespmem:s22+$0xFFFFF860]  }
0x40: {  	[tilespmem:s20+$0x20] =	vst v5;
	v13 =	vpack.i.b32.b16 v7, v3;
	v7 =	vunpack.i.u.s16.s32 v12;
	v8 =	vunpack.i.l.s16.s32 v12;
	v3 =	vld [tilespmem:s22+$0x60]  }
0x41: {  	v10 =	vpack.i.b32.b16 v9, v10;
	v5 =	vld [tilespmem:s22+$0xFFFFF800];
	[tilespmem:s20+$0xFFFFFE30] =	vst v13;
	v9 =	vunpack.i.u.s16.s32 v11;
	v11 =	vunpack.i.l.s16.s32 v11;
	s22 =	sadd.s32 $0x80, s22  }
0x42: {  	[tilespmem:s20+$0x30] =	vst v10;
	v8 =	vpack.i.b32.b16 v11, v8  }
0x43: {  	v51 =	vunpack.i.l.s16.s32 v4;
	v7 =	vpack.i.b32.b16 v9, v7;
	[tilespmem:s20+$0xFFFFFE40] =	vst v8;
	v52 =	vunpack.i.l.s16.s32 v6  }
0x44: {  	v53 =	vunpack.i.u.s16.s32 v4;
	v54 =	vunpack.i.u.s16.s32 v6;
	[tilespmem:s20+$0x40] =	vst v7;
	v55 =	vpack.i.b32.b16 v52, v51  }
0x45: {  	p0 =	slt.u32 s18, $0x6;
	v56 =	vunpack.i.l.s16.s32 v2;
	v4 =	vpack.i.b32.b16 v54, v53;
	[tilespmem:s20+$0xFFFFFE50] =	vst v55;
	v57 =	vunpack.i.l.s16.s32 v3  }
.Ltmp4:
0x46: {  	[tilespmem:s20+$0x50] =	vst v4;
	v58 =	vunpack.i.l.s16.s32 v5;
	v59 =	vpack.i.b32.b16 v57, v56;
	(pc) =	sbr.rel @p0 .LBB1_3-.Ltmp4, $4  }
0x47: {  	v61 =	vunpack.i.u.s16.s32 v2;
	v62 =	vunpack.i.u.s16.s32 v3;
	v1 =	vpack.i.b32.b16 v1, v58;
	[tilespmem:s20+$0xFFFFFE60] =	vst v59  }
0x48: {  	v60 =	vunpack.i.u.s16.s32 v5;
	v63 =	vpack.i.b32.b16 v62, v61;
	[tilespmem:s20+$0xFFFFFE00] =	vst v1  }
0x49: {  	s31 =	sadd.s32 $0x2, s18;
	v0 =	vpack.i.b32.b16 v0, v60;
	[tilespmem:s19+$0x60] =	vst v63  }
0x4a: {  	s16 =	sadd.s32 $0x1000, s16;
	s17 =	sadd.s32 $0x80, s17;
	s18 =	smov.u32 s31;
	[tilespmem:s19+$0x0] =	vst v0  }
0x4b: {  	s14 =	sand.u32 $0x1FFFFFE, s14  }
0x4c: {  	s16 =	smulhi.u32 $0x1555556, s14  }
0x4d: {  	s13 =	smul.u32 $0x600, s13  }
0x4e: {  	s16 =	smul.u32 $0xC0, s16  }
.Ltmp5:
0x4f: {  	_ = 	snop;
	(pc) =	sbr.rel .LBB1_7-.Ltmp5, $4  }
0x50: {  	s14 =	ssub.s32 s14, s16  }
0x51: {  	s13 =	sadd.s32 s5, s13;
	s14 =	sshll.u32 s14, $0x3  }
0x52: {  	s13 =	sadd.s32 s14, s13  }
0x53: {  	[hbm4b:s13+s8] =	stream.strided.scatter [tilespmem:s15], [sflag:$0x2], $0x4000, s9, s8, $0x38;
	[tilespmem:$0x10000] =	vst v63  }
.LBB1_8:
0x54: {  	_ =	sfence.sel $0x180000  }
0x55: {  	s2 =	simm.s32 $0x1;
	[bflag:$0x0] =	sbarrier.arrive $0xFFFF  }
0x56: {  	s31 =	simm.s32 $0x2;
	[sflag:s2] =	ssyncpa.u1 $0x1  }
0x57: {  	[sflag:s31] =	ssyncpa.u1 $0x1  }
0x58: {  	p0 =	sne.s32 s0, $0x0;
	_ =	strace $0x90000047  }
0x59: {  	s0 =	sadd.s32 @!p0 $0x100000, s1;
	[bflag:$0x2] =	sbarrier.arrive $0xFFFF  }
0x5a: {  	[sflag:s0] =	ssyncadd.tile.s32 @!p0 $0x1;
	_ =	shalt  }
.Lfunc_end1:
_tile_overlayer_lowered:
.L_overlay_start_2:
0x5b: {  	(tag) =	ssettag $0x2  }
0x5c: {  	s0 =	rddreg [dreg:$0x0];
	s2 =	stileid.u32  }
0x5d: {  	s1 =	rddreg [dreg:$0x1];
	p0 =	sne.s32 s2, $0x0  }
0x5e: {  	s3 =	rddreg [dreg:$0x2];
	[bflag:$0x3] =	sbarrier.arrive $0xFFFF;
	s2 =	simm.s32 @!p0 $0x1C01  }
0x5f: {  	[timem:s3], [sflag:s2] =	dma.local @!p0 [hbm:s0], s1  }
0x60: {  	s0 =	simm.s32 @!p0 $0x1  }
0x61: {  	_ =	swait.ge @!p0 [sflag:s0], s1  }
0x62: {  	s1 =	ssub.s32 @!p0 $0x0, s1;
	[sflag:s0] =	ssyncset.done @!p0 $0x0  }
0x63: {  	[sflag:s0] =	ssyncadd.s32 @!p0 s1  }
0x64: {  	[bflag:$0x3] =	sbarrier.arrive $0xFFFF  }
0x65: {  	_ =	shalt  }

// kernel: sparse-core-data-format-call.cloned.1.call-start
scs
called_computation_lowered:
.L_overlay_start_0:
0x0: {  	s1 =	sld [smem:$0x3FD9]  }
0x1: {  	s2 =	sld [smem:$0x3FFE];
	_ =	sdelay $0x1  }
0x2: {  	s3 =	srdreg.scid  }
0x3: {  	s0 =	sand.u32 $0x1, s3  }
0x4: {  	s17 =	sshll.u32 s0, $0xA;
	s1 =	sadd.s32 s2, s1  }
0x5: {  	s1 =	sadd.s32 s1, s17  }
0x6: {  	[smem:$0x3FBE] =	sst s1  }
0x7: {  	_ = 	snop  }
0x8: {  	(tm) =	ssettm $0x1  }
0x9: {  	s18 =	sld [smem:$0x3FFB];
	_ =	sdelay $0x3  }
0xa: {  	_ =	strace s18  }
0xb: {  	s1 =	sld [smem:$0x3FFC];
	_ =	sdelay $0x3  }
0xc: {  	_ =	strace s1  }
0xd: {  	s1 =	sld [smem:$0x3FFD];
	_ =	sdelay $0x3  }
0xe: {  	_ =	strace s1  }
0xf: {  	_ =	strace $0x8FFFFFFF  }
0x10: {  	s19 =	sld [smem:$0x3FDB];
	_ =	sdelay $0x1  }
0x11: {  	s20 =	simm.s32 $_scs_section_size  }
0x12: {  	s4 =	simm.s32 $_size__tile_overlayer_lowered;
	s5 =	simm.s32 $_tile_overlayer_lowered  }
0x13: {  	s23 =	simm.s32 $0x1BFF;
	s22 =	sshll.u32 s5, $0x1;
	s1 =	sadd.s32 s20, s19  }
0x14: {  	s6 =	simm.s32 $0x0;
	s21 =	sshll.u32 s4, $0x1;
	s4 =	sadd.s32 s22, s1  }
0x15: {  	[timem:s6], [sflag:s23] =	dma.local [hbm:s4], s21  }
0x16: {  	_ =	swait.ge [sflag:s23], s21  }
0x17: {  	s2 =	ssub.s32 $0x0, s21;
	[sflag:s23] =	ssyncset.done $0x0  }
0x18: {  	[sflag:s23] =	ssyncadd.s32 s2;
	_ =	sdelay $0x1  }
0x19: {  	s24 =	simm.s32 $0x1B8B  }
0x1a: {  	_ =	swait.ge [sflag:s24], $0x1  }
0x1b: {  	[sflag:s24] =	ssyncset.done $0x0  }
0x1c: {  	s26 =	simm.s32 $0x1B8E;
	s25 =	sld [smem:$0x3FFE];
	[sflag:s24] =	ssyncadd.s32 $0xFFFFFFFF  }
0x1d: {  	s27 =	simm.s32 $execute0_lowered;
	[smem:$0x3FD2] =	sst s26  }
0x1e: {  	s4 =	sshll.u32 s27, $0x1;
	_ =	strace $0x80000049;
	[dreg:$0x1] =	wrdreg $0xFFFFFFFF  }
0x1f: {  	s28 =	simm.s32 $_size_execute0_lowered;
	s1 =	sadd.s32 s1, s4;
	[dreg:$0x0] =	wrdreg $0x0  }
0x20: {  	s4 =	sshll.u32 s28, $0x1;
	[dreg:$0x2] =	wrdreg s1  }
0x21: {  	[dreg:$0x3] =	wrdreg s4  }
0x22: {  	[dreg:$0x4] =	wrdreg $0xC0  }
0x23: {  	_ =	task [dreg:s6], $0x5FFFF  }
0x24: {  	[dreg:$0x1] =	wrdreg $0xFFFFFFFF  }
0x25: {  	[dreg:$0x0] =	wrdreg $0x60  }
0x26: {  	[dreg:$0x2] =	wrdreg s25  }
0x27: {  	[dreg:$0x3] =	wrdreg $0x9  }
0x28: {  	_ =	task.clear_ibuf [dreg:s6], $0x4FFFF;
	_ =	strace $0x90000049  }
0x29: {  	s29 =	simm.s32 $0x9;
	_ =	strace $0x8000004B  }
0x2a: {  	_ =	swait.ge [sflag:s29], $0x1  }
0x2b: {  	[sflag:s29] =	ssyncadd.s32 $0xFFFFFFFF  }
0x2c: {  	_ =	strace $0x9000004B  }
0x2d: {  	_ =	sfence  }
0x2e: {  	s30 =	sld [smem:$0x0];
	_ =	sdelay $0x2  }
0x2f: {  	s31 =	sshll.u32 s3, $0xD;
	s3 =	sshrl.u32 s3, $0x2  }
0x30: {  	s2 =	sand.u32 $0x4000, s31;
	s1 =	sadd.s32 s3, s30  }
0x31: {  	s0 =	sor.u32 s2, s0;
	s1 =	sshll.u32 s1, $0x11  }
0x32: {  	s0 =	sor.u32 s1, s0  }
0x33: {  	s0 =	sadd.s32 $0x8F2B, s0  }
0x34: {  	[sflag:s0] =	ssyncadd.remote.s32 $0x1  }
0x35: {  	_ =	sfence.sel $0xFFFF  }
0x36: {  	[dreg:$0x0] =	wrdreg $0xFFFFFFFF;
	(pc) =	sbr.abs _section_cstart, $3  }
0x37: {  	[dreg:$0x1] =	wrdreg $0xFFFFFFFF  }
0x38: {  	_ =	task.clear_ibuf [dreg:s6], $0x2FFFF;
	_ =	strace $0x9FFFFFFF  }
0x39: {  	(tm) =	ssettm $0x7FFFFFFF  }
tec
execute0_lowered:
.L_overlay_start_1:
0x0: {  	(tag) =	ssettag $0x1  }
0x1: {  	s1 =	srdreg.scid;
	s0 =	stileid.u32  }
0x2: {  	s6 =	rddreg [dreg:$0x0];
	s5 =	simm.s32 $0x1;
	s1 =	sshll.u32 s1, $0x4  }
0x3: {  	s8 =	simm.s32 $0x2;
	s16 =	simm.s32 $0x0;
	s1 =	sor.u32 s0, s1  }
0x4: {  	s9 =	simm.s32 $0x100;
	s10 =	simm.s32 $0xC000;
	s2 =	sand.u32 $0x1C, s1  }
0x5: {  	s11 =	simm.s32 $0x0;
	s18 =	simm.s32 $0x0;
	s3 =	ssub.s32 $0xC0, s2  }
0x6: {  	s17 =	simm.s32 $0x0;
	s12 =	simm.s32 $0x0;
	s4 =	sand.u32 $0x1C, s3  }
0x7: {  	s15 =	simm.s32 $0x0;
	s1 =	rddreg [dreg:$0x1];
	p0 =	sne.s32 s4, $0x0  }
.Ltmp0:
0x8: {  	s7 =	sshrl.u32 s3, $0x5;
	s5 =	simm.s32 @!p0 $0x0;
	(pc) =	sbr.rel .LBB1_1-.Ltmp0, $4  }
0x9: {  	_ =	strace $0x8000004A;
	s13 =	smov.u32 s2;
	s5 =	sadd.s32 s5, s7  }
0xa: {  	s3 =	sadd.s32 $0x1C00, s6;
	s4 =	simm.s32 $0x1;
	s5 =	smul.u32 $0x3, s5  }
0xb: {  	s6 =	sadd.s32 $0x121C00, s6;
	[sflag:s4] =	ssyncpa.u1 $0x0;
	s7 =	sand.u32 $0x3, s0  }
0xc: {  	[sflag:s8] =	ssyncpa.u1 $0x0;
	s14 =	smov.u32 s7;
	s8 =	sadd.s32 $0x1, s5  }
.LBB1_7:
0xd: {  	s19 =	sadd.s32 $0x40, s12  }
0xe: {  	s16 =	sadd.s32 $0x20, s13;
	s20 =	smov.u32 s13;
	p1 =	sgt.s32 s19, $0xBF  }
0xf: {  	s20 =	smov.u32 @p1 s16  }
0x10: {  	s22 =	smov.u32 s14;
	s16 =	sadd.s32 $0x4, s14;
	p2 =	sgt.s32 s20, $0xBF  }
0x11: {  	s22 =	smov.u32 @p2 s16  }
0x12: {  	s19 =	simm.s32 @p1 $0x0;
	p1 =	sgt.s32 s22, $0x3  }
0x13: {  	p0 =	slt.u32 s15, $0x2;
	s22 =	smov.u32 @p1 s7;
	p1 =	sne.s32 s15, s8  }
.Ltmp1:
0x14: {  	s21 =	simm.s32 @!p0 $0x2;
	(pc) =	sbr.rel @!p1 .LBB1_8-.Ltmp1, $4  }
0x15: {  	s18 =	smov.u32 s13;
	s17 =	smov.u32 s14;
	_ =	swait.ge @!p0 [sflag:s21], $0x4000  }
0x16: {  	s11 =	sadd.s32 $0x8000, s11;
	[sflag:s21] =	ssyncset.done @!p0 $0x0;
	s20 =	smov.u32 @p2 s2  }
0x17: {  	s16 =	smov.u32 s12;
	[sflag:s21] =	ssyncadd.s32 @!p0 $0xFFFFC000;
	s12 =	smov.u32 s19  }
0x18: {  	s13 =	smov.u32 s20;
	s15 =	sadd.s32 $0x1, s15;
	s14 =	smov.u32 s22  }
.LBB1_1:
0x19: {  	p0 =	sge.u32 s15, s5  }
0x1a: {  	s19 =	sand.u32 @!p0 $0x1FFFFFE, s12  }
0x1b: {  	s20 =	smulhi.u32 @!p0 $0x1555556, s19  }
0x1c: {  	s21 =	smul.u32 @!p0 $0x48000, s14  }
0x1d: {  	s20 =	smul.u32 @!p0 $0xC0, s20  }
0x1e: {  	s22 =	smul.u32 @!p0 $0x600, s13  }
0x1f: {  	s19 =	ssub.s32 @!p0 s19, s20;
	s20 =	sadd.s32 @!p0 s3, s21  }
0x20: {  	s21 =	sxor.u32 @!p0 $0xFFFFFFFF, s15;
	s19 =	sshll.u32 @!p0 s19, $0x3;
	s20 =	sadd.s32 @!p0 s22, s20  }
0x21: {  	s31 =	sadd.s32 $0xFFFFFFFF, s15;
	s19 =	sadd.s32 @!p0 s19, s20;
	s20 =	sshll.u32 @!p0 s21, $0xE  }
0x22: {  	s22 =	simm.s32 @!p0 $0x3000;
	s21 =	simm.s32 @!p0 $0x1000;
	s20 =	sand.u32 @!p0 $0x4000, s20  }
0x23: {  	[tilespmem:s20], [sflag:$0x1] =	stream.strided.gather @!p0 [hbm4b:s19+s21], $0x4000, s22, s21, $0x38;
	[tilespmem:$0x10000] =	vst v63  }
0x24: {  	p0 =	sge.u32 s31, s5  }
.Ltmp2:
0x25: {  	_ = 	snop;
	(pc) =	sbr.rel @p0 .LBB1_7-.Ltmp2, $1  }
0x26: {  	_ =	sdelay $0x3  }
0x27: {  	s19 =	sshll.u32 s11, $0x1  }
0x28: {  	_ =	swait.ge [sflag:s4], $0x4000;
	s20 =	sshll.u32 s15, $0xE;
	s22 =	simm.s32 $0x0  }
0x29: {  	p1 =	por $0x1, $0x1;
	s19 =	sand.u32 $0x10000, s19;
	[sflag:s4] =	ssyncset.done $0x0  }
0x2a: {  	s20 =	sand.u32 $0x4000, s20;
	s21 =	sshrl.u32 s19, $0x2;
	[sflag:s4] =	ssyncadd.s32 $0xFFFFC000  }
0x2b: {  	s19 =	sor.u32 $0x8000, s20;
	s20 =	sadd.s32 $0x1000, s21;
	s21 =	sadd.s32 $0x8100, s21  }
.LBB1_3:
0x2c: {  	s23 =	sshll.u32 s22, $0xC  }
0x2d: {  	s23 =	sand.u32 $0x3FFFF000, s23  }
0x2e: {  	s23 =	sadd.s32 s23, s20  }
0x2f: {  	v0 =	vld [tilespmem:s23+$0xFFFFF070]  }
0x30: {  	v1 =	vld [tilespmem:s23+$0x70]  }
0x31: {  	v2 =	vld [tilespmem:s23+$0x0]  }
0x32: {  	v3 =	vld [tilespmem:s23+$0xFFFFF010]  }
0x33: {  	v4 =	vld [tilespmem:s23+$0x10]  }
0x34: {  	v5 =	vld [tilespmem:s23+$0xFFFFF020]  }
0x35: {  	v7 =	vld [tilespmem:s23+$0x20]  }
0x36: {  	s31 =	sshll.u32 s22, $0x6;
	v12 =	vld [tilespmem:s23+$0xFFFFF040];
	v6 =	vunpack.i.l.s16.s32 v0;
	v8 =	vunpack.i.u.s16.s32 v0;
	v9 =	vunpack.i.u.s16.s32 v1  }
0x37: {  	s22 =	sand.u32 $0x3FFFFFC0, s31;
	v10 =	vunpack.i.l.s16.s32 v1;
	v0 =	vunpack.i.u.s16.s32 v2;
	v1 =	vunpack.i.l.s16.s32 v2;
	v2 =	vld [tilespmem:s23+$0xFFFFF030]  }
0x38: {  	s22 =	sadd.s32 s22, s21;
	v11 =	vld [tilespmem:s23+$0x30];
	v8 =	vpack.i.b32.b16 v9, v8;
	v9 =	vunpack.i.u.s16.s32 v3;
	v3 =	vunpack.i.l.s16.s32 v3  }
0x39: {  	v6 =	vpack.i.b32.b16 v10, v6;
	[tilespmem:s22+$0x70] =	vst v8;
	v8 =	vunpack.i.u.s16.s32 v4;
	v4 =	vunpack.i.l.s16.s32 v4  }
0x3a: {  	v13 =	vld [tilespmem:s23+$0x40];
	v10 =	vunpack.i.u.s16.s32 v5;
	v5 =	vunpack.i.l.s16.s32 v5;
	[tilespmem:s22+$0xFFFFFF70] =	vst v6;
	v3 =	vpack.i.b32.b16 v4, v3  }
0x3b: {  	v6 =	vunpack.i.u.s16.s32 v7;
	v7 =	vunpack.i.l.s16.s32 v7;
	v4 =	vld [tilespmem:s23+$0xFFFFF050];
	[tilespmem:s22+$0xFFFFFF10] =	vst v3;
	v3 =	vpack.i.b32.b16 v8, v9  }
0x3c: {  	v8 =	vunpack.i.l.s16.s32 v12;
	[tilespmem:s22+$0x10] =	vst v3;
	v3 =	vpack.i.b32.b16 v7, v5;
	v9 =	vunpack.i.u.s16.s32 v2;
	v5 =	vld [tilespmem:s23+$0x50]  }
0x3d: {  	v7 =	vunpack.i.l.s16.s32 v2;
	v2 =	vld [tilespmem:s23+$0xFFFFF060];
	[tilespmem:s22+$0xFFFFFF20] =	vst v3;
	v3 =	vpack.i.b32.b16 v6, v10;
	v6 =	vunpack.i.l.s16.s32 v11  }
0x3e: {  	p0 =	por p1, p1;
	v10 =	vunpack.i.u.s16.s32 v11;
	[tilespmem:s22+$0x20] =	vst v3;
	v11 =	vpack.i.b32.b16 v6, v7;
	v7 =	vunpack.i.u.s16.s32 v12;
	v3 =	vld [tilespmem:s23+$0x60]  }
0x3f: {  	s24 =	simm.s32 $0x0;
	s25 =	sadd.s32 $0x80, s23;
	v6 =	vld [tilespmem:s23+$0xFFFFF000];
	v10 =	vpack.i.b32.b16 v10, v9;
	v9 =	vunpack.i.u.s16.s32 v13;
	s23 =	smov.u32 s22;
	[tilespmem:s22+$0xFFFFFF30] =	vst v11;
	v11 =	vunpack.i.l.s16.s32 v13  }
.LBB1_4:
0x40: {  	v12 =	vld [tilespmem:s25+$0xFFFFF070];
	[tilespmem:s22+$0x30] =	vst v10;
	v8 =	vpack.i.b32.b16 v11, v8;
	v10 =	vunpack.i.u.s16.s32 v4;
	v4 =	vunpack.i.l.s16.s32 v4  }
0x41: {  	s24 =	sadd.s32 $0x2, s24;
	v7 =	vpack.i.b32.b16 v9, v7;
	v11 =	vld [tilespmem:s25+$0x70];
	[tilespmem:s22+$0xFFFFFF40] =	vst v8;
	v8 =	vunpack.i.u.s16.s32 v5;
	v5 =	vunpack.i.l.s16.s32 v5  }
0x42: {  	p1 =	slt.u32 s24, $0x3E;
	v9 =	vld [tilespmem:s25+$0x0];
	[tilespmem:s22+$0x40] =	vst v7;
	v4 =	vpack.i.b32.b16 v5, v4;
	v5 =	vunpack.i.u.s16.s32 v2;
	v2 =	vunpack.i.l.s16.s32 v2  }
0x43: {  	v7 =	vld [tilespmem:s25+$0xFFFFF010];
	[tilespmem:s22+$0xFFFFFF50] =	vst v4;
	v4 =	vpack.i.b32.b16 v8, v10;
	v8 =	vunpack.i.u.s16.s32 v3;
	v3 =	vunpack.i.l.s16.s32 v3  }
0x44: {  	v10 =	vld [tilespmem:s25+$0x10];
	v13 =	vunpack.i.u.s16.s32 v6;
	v6 =	vunpack.i.l.s16.s32 v6;
	[tilespmem:s22+$0x50] =	vst v4;
	v2 =	vpack.i.b32.b16 v3, v2  }
0x45: {  	v3 =	vld [tilespmem:s25+$0xFFFFF020];
	v4 =	vunpack.i.l.s16.s32 v12;
	v1 =	vpack.i.b32.b16 v1, v6;
	v6 =	vpack.i.b32.b16 v0, v13;
	[tilespmem:s22+$0xFFFFFF60] =	vst v2  }
0x46: {  	v12 =	vunpack.i.u.s16.s32 v12;
	v2 =	vld [tilespmem:s25+$0x20];
	v13 =	vunpack.i.u.s16.s32 v11;
	v11 =	vunpack.i.l.s16.s32 v11;
	[tilespmem:s22+$0xFFFFFF00] =	vst v1  }
0x47: {  	s22 =	sadd.s32 $0x200, s22;
	v0 =	vunpack.i.u.s16.s32 v9;
	v1 =	vunpack.i.l.s16.s32 v9;
	v9 =	vld [tilespmem:s25+$0xFFFFF030];
	v12 =	vpack.i.b32.b16 v13, v12;
	[tilespmem:s23+$0x0] =	vst v6  }
0x48: {  	v5 =	vpack.i.b32.b16 v8, v5;
	v6 =	vunpack.i.u.s16.s32 v7;
	v7 =	vunpack.i.l.s16.s32 v7;
	v13 =	vld [tilespmem:s25+$0x30];
	[tilespmem:s22+$0x70] =	vst v12  }
0x49: {  	v4 =	vpack.i.b32.b16 v11, v4;
	v8 =	vunpack.i.u.s16.s32 v10;
	v10 =	vunpack.i.l.s16.s32 v10;
	v12 =	vld [tilespmem:s25+$0xFFFFF040];
	[tilespmem:s23+$0x60] =	vst v5;
	s23 =	smov.u32 s22  }
0x4a: {  	v5 =	vpack.i.b32.b16 v10, v7;
	v7 =	vunpack.i.u.s16.s32 v3;
	v3 =	vunpack.i.l.s16.s32 v3;
	v11 =	vld [tilespmem:s25+$0x40];
	[tilespmem:s22+$0xFFFFFF70] =	vst v4  }
.Ltmp3:
0x4b: {  	[tilespmem:s22+$0xFFFFFF10] =	vst v5;
	v5 =	vpack.i.b32.b16 v8, v6;
	v6 =	vunpack.i.u.s16.s32 v2;
	v2 =	vunpack.i.l.s16.s32 v2;
	v4 =	vld [tilespmem:s25+$0xFFFFF050];
	(pc) =	sbr.rel @p1 .LBB1_4-.Ltmp3, $4  }
0x4c: {  	[tilespmem:s22+$0x10] =	vst v5;
	v2 =	vpack.i.b32.b16 v2, v3;
	v10 =	vunpack.i.u.s16.s32 v9;
	v3 =	vunpack.i.l.s16.s32 v9;
	v5 =	vld [tilespmem:s25+$0x50]  }
0x4d: {  	v6 =	vpack.i.b32.b16 v6, v7;
	[tilespmem:s22+$0xFFFFFF20] =	vst v2;
	v9 =	vunpack.i.u.s16.s32 v13;
	v7 =	vunpack.i.l.s16.s32 v13;
	v2 =	vld [tilespmem:s25+$0xFFFFF060]  }
0x4e: {  	[tilespmem:s22+$0x20] =	vst v6;
	v13 =	vpack.i.b32.b16 v7, v3;
	v7 =	vunpack.i.u.s16.s32 v12;
	v8 =	vunpack.i.l.s16.s32 v12;
	v3 =	vld [tilespmem:s25+$0x60]  }
0x4f: {  	v10 =	vpack.i.b32.b16 v9, v10;
	v6 =	vld [tilespmem:s25+$0xFFFFF000];
	[tilespmem:s22+$0xFFFFFF30] =	vst v13;
	v9 =	vunpack.i.u.s16.s32 v11;
	v11 =	vunpack.i.l.s16.s32 v11;
	s25 =	sadd.s32 $0x80, s25  }
0x50: {  	[tilespmem:s22+$0x30] =	vst v10;
	v8 =	vpack.i.b32.b16 v11, v8  }
0x51: {  	v51 =	vunpack.i.l.s16.s32 v4;
	v7 =	vpack.i.b32.b16 v9, v7;
	[tilespmem:s22+$0xFFFFFF40] =	vst v8;
	v52 =	vunpack.i.l.s16.s32 v5  }
0x52: {  	v53 =	vunpack.i.u.s16.s32 v4;
	v54 =	vunpack.i.u.s16.s32 v5;
	[tilespmem:s22+$0x40] =	vst v7;
	v55 =	vpack.i.b32.b16 v52, v51  }
0x53: {  	v56 =	vunpack.i.l.s16.s32 v2;
	v4 =	vpack.i.b32.b16 v54, v53;
	[tilespmem:s22+$0xFFFFFF50] =	vst v55;
	v57 =	vunpack.i.l.s16.s32 v3  }
.Ltmp4:
0x54: {  	[tilespmem:s22+$0x50] =	vst v4;
	v58 =	vunpack.i.l.s16.s32 v6;
	v59 =	vpack.i.b32.b16 v57, v56;
	(pc) =	sbr.rel @p0 .LBB1_3-.Ltmp4, $4  }
0x55: {  	v61 =	vunpack.i.u.s16.s32 v2;
	v62 =	vunpack.i.u.s16.s32 v3;
	v1 =	vpack.i.b32.b16 v1, v58;
	[tilespmem:s22+$0xFFFFFF60] =	vst v59  }
0x56: {  	v60 =	vunpack.i.u.s16.s32 v6;
	v63 =	vpack.i.b32.b16 v62, v61;
	[tilespmem:s22+$0xFFFFFF00] =	vst v1  }
0x57: {  	v0 =	vpack.i.b32.b16 v0, v60;
	[tilespmem:s23+$0x60] =	vst v63  }
0x58: {  	p1 =	por $0x0, $0x0;
	s22 =	simm.s32 $0x2;
	[tilespmem:s23+$0x0] =	vst v0  }
0x59: {  	s18 =	sand.u32 $0x1FFFFFE, s18;
	s17 =	smul.u32 $0x600, s17  }
0x5a: {  	s20 =	smulhi.u32 $0x1555556, s18  }
0x5b: {  	s16 =	smul.u32 $0x1800, s16  }
0x5c: {  	s20 =	smul.u32 $0xC0, s20  }
.Ltmp5:
0x5d: {  	_ = 	snop;
	(pc) =	sbr.rel .LBB1_7-.Ltmp5, $4  }
0x5e: {  	s17 =	sadd.s32 s6, s17;
	s18 =	ssub.s32 s18, s20  }
0x5f: {  	s16 =	sadd.s32 s16, s17;
	s18 =	sshll.u32 s18, $0x3  }
0x60: {  	s16 =	sadd.s32 s18, s16  }
0x61: {  	[hbm4b:s16+s9] =	stream.strided.scatter [tilespmem:s19], [sflag:$0x2], $0x4000, s10, s9, $0x38;
	[tilespmem:$0x10000] =	vst v63  }
.LBB1_8:
0x62: {  	_ =	sfence.sel $0x180000  }
0x63: {  	s2 =	simm.s32 $0x1;
	[bflag:$0x0] =	sbarrier.arrive $0xFFFF  }
0x64: {  	s31 =	simm.s32 $0x2;
	[sflag:s2] =	ssyncpa.u1 $0x1  }
0x65: {  	[sflag:s31] =	ssyncpa.u1 $0x1  }
0x66: {  	p0 =	sne.s32 s0, $0x0;
	_ =	strace $0x9000004A  }
0x67: {  	s0 =	sadd.s32 @!p0 $0x100000, s1;
	[bflag:$0x2] =	sbarrier.arrive $0xFFFF  }
0x68: {  	[sflag:s0] =	ssyncadd.tile.s32 @!p0 $0x1;
	_ =	shalt  }
.Lfunc_end1:
_tile_overlayer_lowered:
.L_overlay_start_2:
0x69: {  	(tag) =	ssettag $0x2  }
0x6a: {  	s0 =	rddreg [dreg:$0x0];
	s2 =	stileid.u32  }
0x6b: {  	s1 =	rddreg [dreg:$0x1];
	p0 =	sne.s32 s2, $0x0  }
0x6c: {  	s3 =	rddreg [dreg:$0x2];
	[bflag:$0x3] =	sbarrier.arrive $0xFFFF;
	s2 =	simm.s32 @!p0 $0x1C01  }
0x6d: {  	[timem:s3], [sflag:s2] =	dma.local @!p0 [hbm:s0], s1  }
0x6e: {  	s0 =	simm.s32 @!p0 $0x1  }
0x6f: {  	_ =	swait.ge @!p0 [sflag:s0], s1  }
0x70: {  	s1 =	ssub.s32 @!p0 $0x0, s1;
	[sflag:s0] =	ssyncset.done @!p0 $0x0  }
0x71: {  	[sflag:s0] =	ssyncadd.s32 @!p0 s1  }
0x72: {  	[bflag:$0x3] =	sbarrier.arrive $0xFFFF  }
0x73: {  	_ =	shalt  }

</sc_bundles>
